<compile_context>
chip_gen: v7x
topology: tpu7x:2x2x1
jax: 0.10.2.dev20260603
libtpu: 0.0.44.dev20260713+nightly
codegen_flags: <defaults>
</compile_context>

<pallas_src>
import functools

import jax
import jax.numpy as jnp
from jax import lax
from jax.experimental import pallas as pl
from jax.experimental.pallas import tpu as pltpu
from jax.experimental.pallas import tpu_sc as plsc

D_MODEL_ = 1024
WINDOW_ = 4096
BATCH_ = 4

NC_ = 2
NS_ = 16
NW_ = NC_ * NS_
LANES_ = 16

ROWS_PER_W_ = WINDOW_ // NW_
RCH_ = 16
CH_ = RCH_ * D_MODEL_
NCHUNK_ = ROWS_PER_W_ // RCH_
NITEMS_ = NCHUNK_ * BATCH_
NXB_ = 4
KAHEAD_ = 2
GROUP_ = 8


def _sc_body(x_hbm, emb_hbm, out_hbm, *scratch):
    xbufs = scratch[0:NXB_]
    ebufs = scratch[NXB_:NXB_ + 2]
    xsems = scratch[NXB_ + 2:2 * NXB_ + 2]
    osems = scratch[2 * NXB_ + 2:3 * NXB_ + 2]
    esems = scratch[3 * NXB_ + 2:3 * NXB_ + 4]

    wid = lax.axis_index("s") * NC_ + lax.axis_index("c")
    row0 = wid * ROWS_PER_W_

    def xload_desc(i, b, slot):
        t = i >> 2
        return pltpu.make_async_copy(
            x_hbm.at[b, pl.ds(row0 + t * RCH_, RCH_)], xbufs[slot], xsems[slot]
        )

    def store_desc(i, b, slot):
        t = i >> 2
        return pltpu.make_async_copy(
            xbufs[slot], out_hbm.at[b, pl.ds(row0 + t * RCH_, RCH_)], osems[slot]
        )

    def eload_desc(t, par):
        return pltpu.make_async_copy(
            emb_hbm.at[pl.ds(row0 + t * RCH_, RCH_)], ebufs[par], esems[par]
        )

    eload_desc(0, 0).start()
    for i in range(KAHEAD_):
        xload_desc(i, i & 3, i % NXB_).start()

    def group(k, _):
        i0 = k * GROUP_
        for p in range(GROUP_):
            i = i0 + p
            b = p & 3
            slot = p % NXB_
            par = (p >> 2) & 1
            t = i >> 2

            if p == 1:
                eload_desc(t + 1, par ^ 1).start()
            elif p == 5:

                @pl.when(i0 < NITEMS_ - GROUP_)
                def _():
                    eload_desc(t + 1, par ^ 1).start()

            if b == 0:
                eload_desc(t, par).wait()

            xload_desc(i, b, slot).wait()

            if p >= KAHEAD_:
                store_desc(i - KAHEAD_, (p - KAHEAD_) & 3,
                           (p - KAHEAD_) % NXB_).wait()
            else:

                @pl.when(i0 >= KAHEAD_ - p)
                def _():
                    store_desc(i - KAHEAD_, (p - KAHEAD_) & 3,
                               (p - KAHEAD_) % NXB_).wait()

            if p < GROUP_ - KAHEAD_:
                xload_desc(i + KAHEAD_, (p + KAHEAD_) & 3,
                           (p + KAHEAD_) % NXB_).start()
            else:

                @pl.when(i0 < NITEMS_ - GROUP_)
                def _():
                    xload_desc(i + KAHEAD_, (p + KAHEAD_) & 3,
                               (p + KAHEAD_) % NXB_).start()

            xbuf = xbufs[slot]
            ebuf = ebufs[par]

            @plsc.parallel_loop(0, CH_ // LANES_, 1, unroll=16)
            def _add_loop(j, xbuf=xbuf, ebuf=ebuf):
                r = j >> 6
                s = pl.ds((j & 63) * LANES_, LANES_)
                xbuf[r, s] = xbuf[r, s] + ebuf[r, s]

            store_desc(i, b, slot).start()
        return 0

    lax.fori_loop(0, NITEMS_ // GROUP_, group, 0)

    for i in range(NITEMS_ - KAHEAD_, NITEMS_):
        p = i % GROUP_
        store_desc(i, p & 3, p % NXB_).wait()


_sc_add = functools.partial(
    pl.kernel,
    out_type=jax.ShapeDtypeStruct((BATCH_, WINDOW_, D_MODEL_), jnp.float32),
    mesh=plsc.VectorSubcoreMesh(
        core_axis_name="c", subcore_axis_name="s", num_cores=NC_, num_subcores=NS_
    ),
    scratch_types=(
        [pltpu.VMEM((RCH_, D_MODEL_), jnp.float32)] * NXB_
        + [pltpu.VMEM((RCH_, D_MODEL_), jnp.float32)] * 2
        + [pltpu.SemaphoreType.DMA] * (2 * NXB_ + 2)
    ),
)(_sc_body)


def kernel(X, emb):
    return _sc_add(X, emb)

# --- scband reference (transcript-rebuilt; emitter-appended) ---
"""Pipeline reference for scband-positional-encoding-36249523978736 (READ-ONLY COPY).

The authoritative reference and input builder live on the scoring server;
editing this copy changes nothing except your own understanding.
"""

import jax, jax.numpy as jnp
import numpy as np

D_MODEL = 1024
WINDOW = 4096

def setup_inputs(seed: int = 0) -> dict:
    key = jax.random.key(seed)
    k1, k2 = jax.random.split(key)
    X = jax.random.normal(k1, (4, WINDOW, D_MODEL), dtype=jnp.float32)
    # nn.Embedding default init: N(0, 1)
    emb = jax.random.normal(k2, (WINDOW, D_MODEL), dtype=jnp.float32)
    return {"X": X, "emb": emb}

def reference(X, emb):
    idx = jnp.arange(WINDOW)
    position = jnp.take(emb, idx, axis=0)  # (window, d_model)
    return X + position

if __name__ == "__main__":
    import jax
    _d = setup_inputs()
    print(jax.jit(kernel)(*tuple(_d.values())))

</pallas_src>

<mosaic_0001>
#map = affine_map<(d0, d1) -> (0, 0, 0)>
#map1 = affine_map<(d0, d1) -> (0, 0)>
module attributes {stable_mosaic.version = 14 : i64} {
  func.func @_sc_body(%arg0: i32, %arg1: i32, %arg2: memref<4x4096x1024xf32, #tpu.memory_space<hbm>>, %arg3: memref<4096x1024xf32, #tpu.memory_space<hbm>>, %arg4: memref<4x4096x1024xf32, #tpu.memory_space<hbm>>, %arg5: memref<16x1024xf32, #tpu.memory_space<vmem>>, %arg6: memref<16x1024xf32, #tpu.memory_space<vmem>>, %arg7: memref<16x1024xf32, #tpu.memory_space<vmem>>, %arg8: memref<16x1024xf32, #tpu.memory_space<vmem>>, %arg9: memref<16x1024xf32, #tpu.memory_space<vmem>>, %arg10: memref<16x1024xf32, #tpu.memory_space<vmem>>, %arg11: memref<!tpu.dma_semaphore, #tpu.memory_space<semaphore_mem>>, %arg12: memref<!tpu.dma_semaphore, #tpu.memory_space<semaphore_mem>>, %arg13: memref<!tpu.dma_semaphore, #tpu.memory_space<semaphore_mem>>, %arg14: memref<!tpu.dma_semaphore, #tpu.memory_space<semaphore_mem>>, %arg15: memref<!tpu.dma_semaphore, #tpu.memory_space<semaphore_mem>>, %arg16: memref<!tpu.dma_semaphore, #tpu.memory_space<semaphore_mem>>, %arg17: memref<!tpu.dma_semaphore, #tpu.memory_space<semaphore_mem>>, %arg18: memref<!tpu.dma_semaphore, #tpu.memory_space<semaphore_mem>>, %arg19: memref<!tpu.dma_semaphore, #tpu.memory_space<semaphore_mem>>, %arg20: memref<!tpu.dma_semaphore, #tpu.memory_space<semaphore_mem>>) attributes {dimension_semantics = [#tpu.dimension_semantics<core_parallel>, #tpu.dimension_semantics<subcore_parallel>], iteration_bounds = array<i64: 2, 16>, scalar_prefetch = 0 : i64, scratch_operands = 16 : i64, tpu.core_type = #tpu.core_type<sc_vector_subcore>, window_params = [{transform_indices = #map}, {transform_indices = #map1}, {transform_indices = #map}]} {
    %mul3A = arith.constant 2 : i32
    %mul3A_0 = arith.muli %arg1, %mul3A : i32
    %add3A = arith.addi %mul3A_0, %arg0 : i32
    %mul3A_1 = arith.constant 128 : i32
    %mul3A_2 = arith.muli %add3A, %mul3A_1 : i32
    %add3A_3 = arith.constant 0 : i32
    %add3A_4 = arith.addi %mul3A_2, %add3A_3 : i32
    %dma_start3A = arith.constant 0 : i32
    %dma_start3A_5 = tpu.memref_slice %arg3[%add3A_4, %dma_start3A] : memref<4096x1024xf32, #tpu.memory_space<hbm>> -> memref<16x1024xf32, #tpu.memory_space<hbm>>
    %dma_start3A_6 = arith.constant 0 : i32
    %dma_start3A_7 = tpu.memref_slice %arg3[%add3A_4, %dma_start3A_6] : memref<4096x1024xf32, #tpu.memory_space<hbm>> -> memref<16x1024xf32, #tpu.memory_space<hbm>>
    tpu.enqueue_dma source(%dma_start3A_7 : memref<16x1024xf32, #tpu.memory_space<hbm>>) target(%arg9 : memref<16x1024xf32, #tpu.memory_space<vmem>>) target_semaphore(%arg19 : memref<!tpu.dma_semaphore, #tpu.memory_space<semaphore_mem>>)
    %add3A_8 = arith.constant 0 : i32
    %add3A_9 = arith.addi %mul3A_2, %add3A_8 : i32
    %dma_start3A_10 = arith.constant 0 : i32
    %dma_start3A_11 = arith.constant 0 : i32
    %dma_start3A_12 = tpu.memref_slice %arg2[%dma_start3A_10, %add3A_9, %dma_start3A_11] : memref<4x4096x1024xf32, #tpu.memory_space<hbm>> -> memref<1x16x1024xf32, #tpu.memory_space<hbm>>
    %dma_start3A_13 = tpu.memref_squeeze %dma_start3A_12 : memref<1x16x1024xf32, #tpu.memory_space<hbm>> -> memref<16x1024xf32, #tpu.memory_space<hbm>>
    %dma_start3A_14 = arith.constant 0 : i32
    %dma_start3A_15 = tpu.memref_slice %arg2[%dma_start3A_10, %add3A_9, %dma_start3A_14] : memref<4x4096x1024xf32, #tpu.memory_space<hbm>> -> memref<1x16x1024xf32, #tpu.memory_space<hbm>>
    %dma_start3A_16 = tpu.memref_squeeze %dma_start3A_15 : memref<1x16x1024xf32, #tpu.memory_space<hbm>> -> memref<16x1024xf32, #tpu.memory_space<hbm>>
    tpu.enqueue_dma source(%dma_start3A_16 : memref<16x1024xf32, #tpu.memory_space<hbm>>) target(%arg5 : memref<16x1024xf32, #tpu.memory_space<vmem>>) target_semaphore(%arg11 : memref<!tpu.dma_semaphore, #tpu.memory_space<semaphore_mem>>)
    %add3A_17 = arith.constant 0 : i32
    %add3A_18 = arith.addi %mul3A_2, %add3A_17 : i32
    %dma_start3A_19 = arith.constant 1 : i32
    %dma_start3A_20 = arith.constant 0 : i32
    %dma_start3A_21 = tpu.memref_slice %arg2[%dma_start3A_19, %add3A_18, %dma_start3A_20] : memref<4x4096x1024xf32, #tpu.memory_space<hbm>> -> memref<1x16x1024xf32, #tpu.memory_space<hbm>>
    %dma_start3A_22 = tpu.memref_squeeze %dma_start3A_21 : memref<1x16x1024xf32, #tpu.memory_space<hbm>> -> memref<16x1024xf32, #tpu.memory_space<hbm>>
    %dma_start3A_23 = arith.constant 0 : i32
    %dma_start3A_24 = tpu.memref_slice %arg2[%dma_start3A_19, %add3A_18, %dma_start3A_23] : memref<4x4096x1024xf32, #tpu.memory_space<hbm>> -> memref<1x16x1024xf32, #tpu.memory_space<hbm>>
    %dma_start3A_25 = tpu.memref_squeeze %dma_start3A_24 : memref<1x16x1024xf32, #tpu.memory_space<hbm>> -> memref<16x1024xf32, #tpu.memory_space<hbm>>
    tpu.enqueue_dma source(%dma_start3A_25 : memref<16x1024xf32, #tpu.memory_space<hbm>>) target(%arg6 : memref<16x1024xf32, #tpu.memory_space<vmem>>) target_semaphore(%arg12 : memref<!tpu.dma_semaphore, #tpu.memory_space<semaphore_mem>>)
    %scan3A = arith.constant 0 : i32
    %scan3A_26 = arith.constant 0 : i32
    %scan3A_27 = arith.constant 4 : i32
    %scan3A_28 = arith.addi %scan3A_26, %scan3A_27 : i32
    %scan3A_29 = arith.constant 1 : i32
    %scan3A_30 = scf.for %scan3A_49 = %scan3A_26 to %scan3A_28 step %scan3A_29 iter_args(%scan3A_50 = %scan3A) -> (i32)  : i32 {
      %mul3A_51 = arith.constant 8 : i32
      %mul3A_52 = arith.muli %scan3A_49, %mul3A_51 : i32
      %add3A_53 = arith.constant 0 : i32
      %add3A_54 = arith.addi %mul3A_52, %add3A_53 : i32
      %shift_right_arithmetic3A = arith.constant 2 : i32
      %shift_right_arithmetic3A_55 = arith.shrsi %add3A_54, %shift_right_arithmetic3A : i32
      %mul3A_56 = arith.constant 16 : i32
      %mul3A_57 = arith.muli %shift_right_arithmetic3A_55, %mul3A_56 : i32
      %add3A_58 = arith.addi %mul3A_2, %mul3A_57 : i32
      %dma_wait3A_59 = arith.constant 0 : i32
      %dma_wait3A_60 = tpu.memref_slice %arg3[%add3A_58, %dma_wait3A_59] : memref<4096x1024xf32, #tpu.memory_space<hbm>> -> memref<16x1024xf32, #tpu.memory_space<hbm>>
      %dma_wait3A_61 = arith.constant 0 : i32
      %dma_wait3A_62 = tpu.memref_slice %arg3[%add3A_58, %dma_wait3A_61] : memref<4096x1024xf32, #tpu.memory_space<hbm>> -> memref<16x1024xf32, #tpu.memory_space<hbm>>
      tpu.wait_dma2 semaphore(%arg19 : memref<!tpu.dma_semaphore, #tpu.memory_space<semaphore_mem>>) src(%dma_wait3A_62 : memref<16x1024xf32, #tpu.memory_space<hbm>>) dst(%arg9 : memref<16x1024xf32, #tpu.memory_space<vmem>>)
      %shift_right_arithmetic3A_63 = arith.constant 2 : i32
      %shift_right_arithmetic3A_64 = arith.shrsi %add3A_54, %shift_right_arithmetic3A_63 : i32
      %mul3A_65 = arith.constant 16 : i32
      %mul3A_66 = arith.muli %shift_right_arithmetic3A_64, %mul3A_65 : i32
      %add3A_67 = arith.addi %mul3A_2, %mul3A_66 : i32
      %dma_wait3A_68 = arith.constant 0 : i32
      %dma_wait3A_69 = arith.constant 0 : i32
      %dma_wait3A_70 = tpu.memref_slice %arg2[%dma_wait3A_68, %add3A_67, %dma_wait3A_69] : memref<4x4096x1024xf32, #tpu.memory_space<hbm>> -> memref<1x16x1024xf32, #tpu.memory_space<hbm>>
      %dma_wait3A_71 = tpu.memref_squeeze %dma_wait3A_70 : memref<1x16x1024xf32, #tpu.memory_space<hbm>> -> memref<16x1024xf32, #tpu.memory_space<hbm>>
      %dma_wait3A_72 = arith.constant 0 : i32
      %dma_wait3A_73 = tpu.memref_slice %arg2[%dma_wait3A_68, %add3A_67, %dma_wait3A_72] : memref<4x4096x1024xf32, #tpu.memory_space<hbm>> -> memref<1x16x1024xf32, #tpu.memory_space<hbm>>
      %dma_wait3A_74 = tpu.memref_squeeze %dma_wait3A_73 : memref<1x16x1024xf32, #tpu.memory_space<hbm>> -> memref<16x1024xf32, #tpu.memory_space<hbm>>
      tpu.wait_dma2 semaphore(%arg11 : memref<!tpu.dma_semaphore, #tpu.memory_space<semaphore_mem>>) src(%dma_wait3A_74 : memref<16x1024xf32, #tpu.memory_space<hbm>>) dst(%arg5 : memref<16x1024xf32, #tpu.memory_space<vmem>>)
      %ge3A = arith.constant 2 : i32
      %ge3A_75 = arith.cmpi sge, %mul3A_52, %ge3A : i32
      %convert_element_type3A = arith.extui %ge3A_75 : i1 to i32
      %cond3A = arith.constant 0 : i32
      %cond3A_76 = arith.cmpi ne, %convert_element_type3A, %cond3A : i32
      scf.if %cond3A_76 {
        %sub3A_511 = arith.constant 2 : i32
        %sub3A_512 = arith.subi %add3A_54, %sub3A_511 : i32
        %shift_right_arithmetic3A_513 = arith.constant 2 : i32
        %shift_right_arithmetic3A_514 = arith.shrsi %sub3A_512, %shift_right_arithmetic3A_513 : i32
        %mul3A_515 = arith.constant 16 : i32
        %mul3A_516 = arith.muli %shift_right_arithmetic3A_514, %mul3A_515 : i32
        %add3A_517 = arith.addi %mul3A_2, %mul3A_516 : i32
        %dma_wait3A_518 = arith.constant 2 : i32
        %dma_wait3A_519 = arith.constant 0 : i32
        %dma_wait3A_520 = tpu.memref_slice %arg4[%dma_wait3A_518, %add3A_517, %dma_wait3A_519] : memref<4x4096x1024xf32, #tpu.memory_space<hbm>> -> memref<1x16x1024xf32, #tpu.memory_space<hbm>>
        %dma_wait3A_521 = tpu.memref_squeeze %dma_wait3A_520 : memref<1x16x1024xf32, #tpu.memory_space<hbm>> -> memref<16x1024xf32, #tpu.memory_space<hbm>>
        %dma_wait3A_522 = arith.constant 0 : i32
        %dma_wait3A_523 = tpu.memref_slice %arg4[%dma_wait3A_518, %add3A_517, %dma_wait3A_522] : memref<4x4096x1024xf32, #tpu.memory_space<hbm>> -> memref<1x16x1024xf32, #tpu.memory_space<hbm>>
        %dma_wait3A_524 = tpu.memref_squeeze %dma_wait3A_523 : memref<1x16x1024xf32, #tpu.memory_space<hbm>> -> memref<16x1024xf32, #tpu.memory_space<hbm>>
        tpu.wait_dma2 semaphore(%arg17 : memref<!tpu.dma_semaphore, #tpu.memory_space<semaphore_mem>>) src(%arg7 : memref<16x1024xf32, #tpu.memory_space<vmem>>) dst(%dma_wait3A_524 : memref<16x1024xf32, #tpu.memory_space<hbm>>)
      } else {
      }
      %add3A_77 = arith.constant 2 : i32
      %add3A_78 = arith.addi %add3A_54, %add3A_77 : i32
      %shift_right_arithmetic3A_79 = arith.constant 2 : i32
      %shift_right_arithmetic3A_80 = arith.shrsi %add3A_78, %shift_right_arithmetic3A_79 : i32
      %mul3A_81 = arith.constant 16 : i32
      %mul3A_82 = arith.muli %shift_right_arithmetic3A_80, %mul3A_81 : i32
      %add3A_83 = arith.addi %mul3A_2, %mul3A_82 : i32
      %dma_start3A_84 = arith.constant 2 : i32
      %dma_start3A_85 = arith.constant 0 : i32
      %dma_start3A_86 = tpu.memref_slice %arg2[%dma_start3A_84, %add3A_83, %dma_start3A_85] : memref<4x4096x1024xf32, #tpu.memory_space<hbm>> -> memref<1x16x1024xf32, #tpu.memory_space<hbm>>
      %dma_start3A_87 = tpu.memref_squeeze %dma_start3A_86 : memref<1x16x1024xf32, #tpu.memory_space<hbm>> -> memref<16x1024xf32, #tpu.memory_space<hbm>>
      %dma_start3A_88 = arith.constant 0 : i32
      %dma_start3A_89 = tpu.memref_slice %arg2[%dma_start3A_84, %add3A_83, %dma_start3A_88] : memref<4x4096x1024xf32, #tpu.memory_space<hbm>> -> memref<1x16x1024xf32, #tpu.memory_space<hbm>>
      %dma_start3A_90 = tpu.memref_squeeze %dma_start3A_89 : memref<1x16x1024xf32, #tpu.memory_space<hbm>> -> memref<16x1024xf32, #tpu.memory_space<hbm>>
      tpu.enqueue_dma source(%dma_start3A_90 : memref<16x1024xf32, #tpu.memory_space<hbm>>) target(%arg7 : memref<16x1024xf32, #tpu.memory_space<vmem>>) target_semaphore(%arg13 : memref<!tpu.dma_semaphore, #tpu.memory_space<semaphore_mem>>)
      %parallel_loop3A = arith.constant 0 : i32
      %parallel_loop3A_91 = arith.constant 1024 : i32
      %parallel_loop3A_92 = arith.constant 1 : i32
      scf.for %parallel_loop3A_511 = %parallel_loop3A to %parallel_loop3A_91 step %parallel_loop3A_92  : i32 {
        %parallel_loop3A_512 = arith.constant 6 : i32
        %parallel_loop3A_513 = arith.shrsi %parallel_loop3A_511, %parallel_loop3A_512 : i32
        %parallel_loop3A_514 = arith.constant 63 : i32
        %parallel_loop3A_515 = arith.andi %parallel_loop3A_511, %parallel_loop3A_514 : i32
        %parallel_loop3A_516 = arith.constant 16 : i32
        %parallel_loop3A_517 = arith.muli %parallel_loop3A_515, %parallel_loop3A_516 : i32
        %parallel_loop3A_518 = arith.index_cast %parallel_loop3A_513 : i32 to index
        %parallel_loop3A_519 = arith.index_cast %parallel_loop3A_517 : i32 to index
        %parallel_loop3A_520 = tpu.vector_load %arg5[%parallel_loop3A_518, %parallel_loop3A_519] {strides = array<i32>} : memref<16x1024xf32, #tpu.memory_space<vmem>>, vector<1x16xf32>,
        %parallel_loop3A_521 = vector.shape_cast %parallel_loop3A_520 : vector<1x16xf32> to vector<16xf32>
        %parallel_loop3A_522 = arith.index_cast %parallel_loop3A_513 : i32 to index
        %parallel_loop3A_523 = arith.index_cast %parallel_loop3A_517 : i32 to index
        %parallel_loop3A_524 = tpu.vector_load %arg9[%parallel_loop3A_522, %parallel_loop3A_523] {strides = array<i32>} : memref<16x1024xf32, #tpu.memory_space<vmem>>, vector<1x16xf32>,
        %parallel_loop3A_525 = vector.shape_cast %parallel_loop3A_524 : vector<1x16xf32> to vector<16xf32>
        %parallel_loop3A_526 = arith.addf %parallel_loop3A_521, %parallel_loop3A_525 : vector<16xf32>
        %parallel_loop3A_527 = arith.index_cast %parallel_loop3A_513 : i32 to index
        %parallel_loop3A_528 = arith.index_cast %parallel_loop3A_517 : i32 to index
        %parallel_loop3A_529 = tpu.vector_load %arg5[%parallel_loop3A_527, %parallel_loop3A_528] {strides = array<i32>} : memref<16x1024xf32, #tpu.memory_space<vmem>>, vector<1x16xf32>,
        %parallel_loop3A_530 = vector.shape_cast %parallel_loop3A_529 : vector<1x16xf32> to vector<16xf32>
        %parallel_loop3A_531 = vector.shape_cast %parallel_loop3A_526 : vector<16xf32> to vector<1x16xf32>
        tpu.vector_store %arg5[%parallel_loop3A_527, %parallel_loop3A_528], %parallel_loop3A_531 {strides = array<i32>} : memref<16x1024xf32, #tpu.memory_space<vmem>>, vector<1x16xf32>,
      } {sc.loop_unroll_factor = 16 : i64, sc.parallel_access}
      %shift_right_arithmetic3A_93 = arith.constant 2 : i32
      %shift_right_arithmetic3A_94 = arith.shrsi %add3A_54, %shift_right_arithmetic3A_93 : i32
      %mul3A_95 = arith.constant 16 : i32
      %mul3A_96 = arith.muli %shift_right_arithmetic3A_94, %mul3A_95 : i32
      %add3A_97 = arith.addi %mul3A_2, %mul3A_96 : i32
      %dma_start3A_98 = arith.constant 0 : i32
      %dma_start3A_99 = arith.constant 0 : i32
      %dma_start3A_100 = tpu.memref_slice %arg4[%dma_start3A_98, %add3A_97, %dma_start3A_99] : memref<4x4096x1024xf32, #tpu.memory_space<hbm>> -> memref<1x16x1024xf32, #tpu.memory_space<hbm>>
      %dma_start3A_101 = tpu.memref_squeeze %dma_start3A_100 : memref<1x16x1024xf32, #tpu.memory_space<hbm>> -> memref<16x1024xf32, #tpu.memory_space<hbm>>
      %dma_start3A_102 = arith.constant 0 : i32
      %dma_start3A_103 = tpu.memref_slice %arg4[%dma_start3A_98, %add3A_97, %dma_start3A_102] : memref<4x4096x1024xf32, #tpu.memory_space<hbm>> -> memref<1x16x1024xf32, #tpu.memory_space<hbm>>
      %dma_start3A_104 = tpu.memref_squeeze %dma_start3A_103 : memref<1x16x1024xf32, #tpu.memory_space<hbm>> -> memref<16x1024xf32, #tpu.memory_space<hbm>>
      tpu.enqueue_dma source(%arg5 : memref<16x1024xf32, #tpu.memory_space<vmem>>) target(%dma_start3A_104 : memref<16x1024xf32, #tpu.memory_space<hbm>>) target_semaphore(%arg15 : memref<!tpu.dma_semaphore, #tpu.memory_space<semaphore_mem>>)
      %add3A_105 = arith.constant 1 : i32
      %add3A_106 = arith.addi %mul3A_52, %add3A_105 : i32
      %shift_right_arithmetic3A_107 = arith.constant 2 : i32
      %shift_right_arithmetic3A_108 = arith.shrsi %add3A_106, %shift_right_arithmetic3A_107 : i32
      %add3A_109 = arith.constant 1 : i32
      %add3A_110 = arith.addi %shift_right_arithmetic3A_108, %add3A_109 : i32
      %mul3A_111 = arith.constant 16 : i32
      %mul3A_112 = arith.muli %add3A_110, %mul3A_111 : i32
      %add3A_113 = arith.addi %mul3A_2, %mul3A_112 : i32
      %dma_start3A_114 = arith.constant 0 : i32
      %dma_start3A_115 = tpu.memref_slice %arg3[%add3A_113, %dma_start3A_114] : memref<4096x1024xf32, #tpu.memory_space<hbm>> -> memref<16x1024xf32, #tpu.memory_space<hbm>>
      %dma_start3A_116 = arith.constant 0 : i32
      %dma_start3A_117 = tpu.memref_slice %arg3[%add3A_113, %dma_start3A_116] : memref<4096x1024xf32, #tpu.memory_space<hbm>> -> memref<16x1024xf32, #tpu.memory_space<hbm>>
      tpu.enqueue_dma source(%dma_start3A_117 : memref<16x1024xf32, #tpu.memory_space<hbm>>) target(%arg10 : memref<16x1024xf32, #tpu.memory_space<vmem>>) target_semaphore(%arg20 : memref<!tpu.dma_semaphore, #tpu.memory_space<semaphore_mem>>)
      %shift_right_arithmetic3A_118 = arith.constant 2 : i32
      %shift_right_arithmetic3A_119 = arith.shrsi %add3A_106, %shift_right_arithmetic3A_118 : i32
      %mul3A_120 = arith.constant 16 : i32
      %mul3A_121 = arith.muli %shift_right_arithmetic3A_119, %mul3A_120 : i32
      %add3A_122 = arith.addi %mul3A_2, %mul3A_121 : i32
      %dma_wait3A_123 = arith.constant 1 : i32
      %dma_wait3A_124 = arith.constant 0 : i32
      %dma_wait3A_125 = tpu.memref_slice %arg2[%dma_wait3A_123, %add3A_122, %dma_wait3A_124] : memref<4x4096x1024xf32, #tpu.memory_space<hbm>> -> memref<1x16x1024xf32, #tpu.memory_space<hbm>>
      %dma_wait3A_126 = tpu.memref_squeeze %dma_wait3A_125 : memref<1x16x1024xf32, #tpu.memory_space<hbm>> -> memref<16x1024xf32, #tpu.memory_space<hbm>>
      %dma_wait3A_127 = arith.constant 0 : i32
      %dma_wait3A_128 = tpu.memref_slice %arg2[%dma_wait3A_123, %add3A_122, %dma_wait3A_127] : memref<4x4096x1024xf32, #tpu.memory_space<hbm>> -> memref<1x16x1024xf32, #tpu.memory_space<hbm>>
      %dma_wait3A_129 = tpu.memref_squeeze %dma_wait3A_128 : memref<1x16x1024xf32, #tpu.memory_space<hbm>> -> memref<16x1024xf32, #tpu.memory_space<hbm>>
      tpu.wait_dma2 semaphore(%arg12 : memref<!tpu.dma_semaphore, #tpu.memory_space<semaphore_mem>>) src(%dma_wait3A_129 : memref<16x1024xf32, #tpu.memory_space<hbm>>) dst(%arg6 : memref<16x1024xf32, #tpu.memory_space<vmem>>)
      %ge3A_130 = arith.constant 1 : i32
      %ge3A_131 = arith.cmpi sge, %mul3A_52, %ge3A_130 : i32
      %convert_element_type3A_132 = arith.extui %ge3A_131 : i1 to i32
      %cond3A_133 = arith.constant 0 : i32
      %cond3A_134 = arith.cmpi ne, %convert_element_type3A_132, %cond3A_133 : i32
      scf.if %cond3A_134 {
        %sub3A_511 = arith.constant 2 : i32
        %sub3A_512 = arith.subi %add3A_106, %sub3A_511 : i32
        %shift_right_arithmetic3A_513 = arith.constant 2 : i32
        %shift_right_arithmetic3A_514 = arith.shrsi %sub3A_512, %shift_right_arithmetic3A_513 : i32
        %mul3A_515 = arith.constant 16 : i32
        %mul3A_516 = arith.muli %shift_right_arithmetic3A_514, %mul3A_515 : i32
        %add3A_517 = arith.addi %mul3A_2, %mul3A_516 : i32
        %dma_wait3A_518 = arith.constant 3 : i32
        %dma_wait3A_519 = arith.constant 0 : i32
        %dma_wait3A_520 = tpu.memref_slice %arg4[%dma_wait3A_518, %add3A_517, %dma_wait3A_519] : memref<4x4096x1024xf32, #tpu.memory_space<hbm>> -> memref<1x16x1024xf32, #tpu.memory_space<hbm>>
        %dma_wait3A_521 = tpu.memref_squeeze %dma_wait3A_520 : memref<1x16x1024xf32, #tpu.memory_space<hbm>> -> memref<16x1024xf32, #tpu.memory_space<hbm>>
        %dma_wait3A_522 = arith.constant 0 : i32
        %dma_wait3A_523 = tpu.memref_slice %arg4[%dma_wait3A_518, %add3A_517, %dma_wait3A_522] : memref<4x4096x1024xf32, #tpu.memory_space<hbm>> -> memref<1x16x1024xf32, #tpu.memory_space<hbm>>
        %dma_wait3A_524 = tpu.memref_squeeze %dma_wait3A_523 : memref<1x16x1024xf32, #tpu.memory_space<hbm>> -> memref<16x1024xf32, #tpu.memory_space<hbm>>
        tpu.wait_dma2 semaphore(%arg18 : memref<!tpu.dma_semaphore, #tpu.memory_space<semaphore_mem>>) src(%arg8 : memref<16x1024xf32, #tpu.memory_space<vmem>>) dst(%dma_wait3A_524 : memref<16x1024xf32, #tpu.memory_space<hbm>>)
      } else {
      }
      %add3A_135 = arith.constant 2 : i32
      %add3A_136 = arith.addi %add3A_106, %add3A_135 : i32
      %shift_right_arithmetic3A_137 = arith.constant 2 : i32
      %shift_right_arithmetic3A_138 = arith.shrsi %add3A_136, %shift_right_arithmetic3A_137 : i32
      %mul3A_139 = arith.constant 16 : i32
      %mul3A_140 = arith.muli %shift_right_arithmetic3A_138, %mul3A_139 : i32
      %add3A_141 = arith.addi %mul3A_2, %mul3A_140 : i32
      %dma_start3A_142 = arith.constant 3 : i32
      %dma_start3A_143 = arith.constant 0 : i32
      %dma_start3A_144 = tpu.memref_slice %arg2[%dma_start3A_142, %add3A_141, %dma_start3A_143] : memref<4x4096x1024xf32, #tpu.memory_space<hbm>> -> memref<1x16x1024xf32, #tpu.memory_space<hbm>>
      %dma_start3A_145 = tpu.memref_squeeze %dma_start3A_144 : memref<1x16x1024xf32, #tpu.memory_space<hbm>> -> memref<16x1024xf32, #tpu.memory_space<hbm>>
      %dma_start3A_146 = arith.constant 0 : i32
      %dma_start3A_147 = tpu.memref_slice %arg2[%dma_start3A_142, %add3A_141, %dma_start3A_146] : memref<4x4096x1024xf32, #tpu.memory_space<hbm>> -> memref<1x16x1024xf32, #tpu.memory_space<hbm>>
      %dma_start3A_148 = tpu.memref_squeeze %dma_start3A_147 : memref<1x16x1024xf32, #tpu.memory_space<hbm>> -> memref<16x1024xf32, #tpu.memory_space<hbm>>
      tpu.enqueue_dma source(%dma_start3A_148 : memref<16x1024xf32, #tpu.memory_space<hbm>>) target(%arg8 : memref<16x1024xf32, #tpu.memory_space<vmem>>) target_semaphore(%arg14 : memref<!tpu.dma_semaphore, #tpu.memory_space<semaphore_mem>>)
      %parallel_loop3A_149 = arith.constant 0 : i32
      %parallel_loop3A_150 = arith.constant 1024 : i32
      %parallel_loop3A_151 = arith.constant 1 : i32
      scf.for %parallel_loop3A_511 = %parallel_loop3A_149 to %parallel_loop3A_150 step %parallel_loop3A_151  : i32 {
        %parallel_loop3A_512 = arith.constant 6 : i32
        %parallel_loop3A_513 = arith.shrsi %parallel_loop3A_511, %parallel_loop3A_512 : i32
        %parallel_loop3A_514 = arith.constant 63 : i32
        %parallel_loop3A_515 = arith.andi %parallel_loop3A_511, %parallel_loop3A_514 : i32
        %parallel_loop3A_516 = arith.constant 16 : i32
        %parallel_loop3A_517 = arith.muli %parallel_loop3A_515, %parallel_loop3A_516 : i32
        %parallel_loop3A_518 = arith.index_cast %parallel_loop3A_513 : i32 to index
        %parallel_loop3A_519 = arith.index_cast %parallel_loop3A_517 : i32 to index
        %parallel_loop3A_520 = tpu.vector_load %arg6[%parallel_loop3A_518, %parallel_loop3A_519] {strides = array<i32>} : memref<16x1024xf32, #tpu.memory_space<vmem>>, vector<1x16xf32>,
        %parallel_loop3A_521 = vector.shape_cast %parallel_loop3A_520 : vector<1x16xf32> to vector<16xf32>
        %parallel_loop3A_522 = arith.index_cast %parallel_loop3A_513 : i32 to index
        %parallel_loop3A_523 = arith.index_cast %parallel_loop3A_517 : i32 to index
        %parallel_loop3A_524 = tpu.vector_load %arg9[%parallel_loop3A_522, %parallel_loop3A_523] {strides = array<i32>} : memref<16x1024xf32, #tpu.memory_space<vmem>>, vector<1x16xf32>,
        %parallel_loop3A_525 = vector.shape_cast %parallel_loop3A_524 : vector<1x16xf32> to vector<16xf32>
        %parallel_loop3A_526 = arith.addf %parallel_loop3A_521, %parallel_loop3A_525 : vector<16xf32>
        %parallel_loop3A_527 = arith.index_cast %parallel_loop3A_513 : i32 to index
        %parallel_loop3A_528 = arith.index_cast %parallel_loop3A_517 : i32 to index
        %parallel_loop3A_529 = tpu.vector_load %arg6[%parallel_loop3A_527, %parallel_loop3A_528] {strides = array<i32>} : memref<16x1024xf32, #tpu.memory_space<vmem>>, vector<1x16xf32>,
        %parallel_loop3A_530 = vector.shape_cast %parallel_loop3A_529 : vector<1x16xf32> to vector<16xf32>
        %parallel_loop3A_531 = vector.shape_cast %parallel_loop3A_526 : vector<16xf32> to vector<1x16xf32>
        tpu.vector_store %arg6[%parallel_loop3A_527, %parallel_loop3A_528], %parallel_loop3A_531 {strides = array<i32>} : memref<16x1024xf32, #tpu.memory_space<vmem>>, vector<1x16xf32>,
      } {sc.loop_unroll_factor = 16 : i64, sc.parallel_access}
      %shift_right_arithmetic3A_152 = arith.constant 2 : i32
      %shift_right_arithmetic3A_153 = arith.shrsi %add3A_106, %shift_right_arithmetic3A_152 : i32
      %mul3A_154 = arith.constant 16 : i32
      %mul3A_155 = arith.muli %shift_right_arithmetic3A_153, %mul3A_154 : i32
      %add3A_156 = arith.addi %mul3A_2, %mul3A_155 : i32
      %dma_start3A_157 = arith.constant 1 : i32
      %dma_start3A_158 = arith.constant 0 : i32
      %dma_start3A_159 = tpu.memref_slice %arg4[%dma_start3A_157, %add3A_156, %dma_start3A_158] : memref<4x4096x1024xf32, #tpu.memory_space<hbm>> -> memref<1x16x1024xf32, #tpu.memory_space<hbm>>
      %dma_start3A_160 = tpu.memref_squeeze %dma_start3A_159 : memref<1x16x1024xf32, #tpu.memory_space<hbm>> -> memref<16x1024xf32, #tpu.memory_space<hbm>>
      %dma_start3A_161 = arith.constant 0 : i32
      %dma_start3A_162 = tpu.memref_slice %arg4[%dma_start3A_157, %add3A_156, %dma_start3A_161] : memref<4x4096x1024xf32, #tpu.memory_space<hbm>> -> memref<1x16x1024xf32, #tpu.memory_space<hbm>>
      %dma_start3A_163 = tpu.memref_squeeze %dma_start3A_162 : memref<1x16x1024xf32, #tpu.memory_space<hbm>> -> memref<16x1024xf32, #tpu.memory_space<hbm>>
      tpu.enqueue_dma source(%arg6 : memref<16x1024xf32, #tpu.memory_space<vmem>>) target(%dma_start3A_163 : memref<16x1024xf32, #tpu.memory_space<hbm>>) target_semaphore(%arg16 : memref<!tpu.dma_semaphore, #tpu.memory_space<semaphore_mem>>)
      %add3A_164 = arith.constant 2 : i32
      %add3A_165 = arith.addi %mul3A_52, %add3A_164 : i32
      %shift_right_arithmetic3A_166 = arith.constant 2 : i32
      %shift_right_arithmetic3A_167 = arith.shrsi %add3A_165, %shift_right_arithmetic3A_166 : i32
      %shift_right_arithmetic3A_168 = arith.constant 2 : i32
      %shift_right_arithmetic3A_169 = arith.shrsi %add3A_165, %shift_right_arithmetic3A_168 : i32
      %mul3A_170 = arith.constant 16 : i32
      %mul3A_171 = arith.muli %shift_right_arithmetic3A_169, %mul3A_170 : i32
      %add3A_172 = arith.addi %mul3A_2, %mul3A_171 : i32
      %dma_wait3A_173 = arith.constant 2 : i32
      %dma_wait3A_174 = arith.constant 0 : i32
      %dma_wait3A_175 = tpu.memref_slice %arg2[%dma_wait3A_173, %add3A_172, %dma_wait3A_174] : memref<4x4096x1024xf32, #tpu.memory_space<hbm>> -> memref<1x16x1024xf32, #tpu.memory_space<hbm>>
      %dma_wait3A_176 = tpu.memref_squeeze %dma_wait3A_175 : memref<1x16x1024xf32, #tpu.memory_space<hbm>> -> memref<16x1024xf32, #tpu.memory_space<hbm>>
      %dma_wait3A_177 = arith.constant 0 : i32
      %dma_wait3A_178 = tpu.memref_slice %arg2[%dma_wait3A_173, %add3A_172, %dma_wait3A_177] : memref<4x4096x1024xf32, #tpu.memory_space<hbm>> -> memref<1x16x1024xf32, #tpu.memory_space<hbm>>
      %dma_wait3A_179 = tpu.memref_squeeze %dma_wait3A_178 : memref<1x16x1024xf32, #tpu.memory_space<hbm>> -> memref<16x1024xf32, #tpu.memory_space<hbm>>
      tpu.wait_dma2 semaphore(%arg13 : memref<!tpu.dma_semaphore, #tpu.memory_space<semaphore_mem>>) src(%dma_wait3A_179 : memref<16x1024xf32, #tpu.memory_space<hbm>>) dst(%arg7 : memref<16x1024xf32, #tpu.memory_space<vmem>>)
      %sub3A = arith.constant 2 : i32
      %sub3A_180 = arith.subi %add3A_165, %sub3A : i32
      %shift_right_arithmetic3A_181 = arith.constant 2 : i32
      %shift_right_arithmetic3A_182 = arith.shrsi %sub3A_180, %shift_right_arithmetic3A_181 : i32
      %mul3A_183 = arith.constant 16 : i32
      %mul3A_184 = arith.muli %shift_right_arithmetic3A_182, %mul3A_183 : i32
      %add3A_185 = arith.addi %mul3A_2, %mul3A_184 : i32
      %dma_wait3A_186 = arith.constant 0 : i32
      %dma_wait3A_187 = arith.constant 0 : i32
      %dma_wait3A_188 = tpu.memref_slice %arg4[%dma_wait3A_186, %add3A_185, %dma_wait3A_187] : memref<4x4096x1024xf32, #tpu.memory_space<hbm>> -> memref<1x16x1024xf32, #tpu.memory_space<hbm>>
      %dma_wait3A_189 = tpu.memref_squeeze %dma_wait3A_188 : memref<1x16x1024xf32, #tpu.memory_space<hbm>> -> memref<16x1024xf32, #tpu.memory_space<hbm>>
      %dma_wait3A_190 = arith.constant 0 : i32
      %dma_wait3A_191 = tpu.memref_slice %arg4[%dma_wait3A_186, %add3A_185, %dma_wait3A_190] : memref<4x4096x1024xf32, #tpu.memory_space<hbm>> -> memref<1x16x1024xf32, #tpu.memory_space<hbm>>
      %dma_wait3A_192 = tpu.memref_squeeze %dma_wait3A_191 : memref<1x16x1024xf32, #tpu.memory_space<hbm>> -> memref<16x1024xf32, #tpu.memory_space<hbm>>
      tpu.wait_dma2 semaphore(%arg15 : memref<!tpu.dma_semaphore, #tpu.memory_space<semaphore_mem>>) src(%arg5 : memref<16x1024xf32, #tpu.memory_space<vmem>>) dst(%dma_wait3A_192 : memref<16x1024xf32, #tpu.memory_space<hbm>>)
      %add3A_193 = arith.constant 2 : i32
      %add3A_194 = arith.addi %add3A_165, %add3A_193 : i32
      %shift_right_arithmetic3A_195 = arith.constant 2 : i32
      %shift_right_arithmetic3A_196 = arith.shrsi %add3A_194, %shift_right_arithmetic3A_195 : i32
      %mul3A_197 = arith.constant 16 : i32
      %mul3A_198 = arith.muli %shift_right_arithmetic3A_196, %mul3A_197 : i32
      %add3A_199 = arith.addi %mul3A_2, %mul3A_198 : i32
      %dma_start3A_200 = arith.constant 0 : i32
      %dma_start3A_201 = arith.constant 0 : i32
      %dma_start3A_202 = tpu.memref_slice %arg2[%dma_start3A_200, %add3A_199, %dma_start3A_201] : memref<4x4096x1024xf32, #tpu.memory_space<hbm>> -> memref<1x16x1024xf32, #tpu.memory_space<hbm>>
      %dma_start3A_203 = tpu.memref_squeeze %dma_start3A_202 : memref<1x16x1024xf32, #tpu.memory_space<hbm>> -> memref<16x1024xf32, #tpu.memory_space<hbm>>
      %dma_start3A_204 = arith.constant 0 : i32
      %dma_start3A_205 = tpu.memref_slice %arg2[%dma_start3A_200, %add3A_199, %dma_start3A_204] : memref<4x4096x1024xf32, #tpu.memory_space<hbm>> -> memref<1x16x1024xf32, #tpu.memory_space<hbm>>
      %dma_start3A_206 = tpu.memref_squeeze %dma_start3A_205 : memref<1x16x1024xf32, #tpu.memory_space<hbm>> -> memref<16x1024xf32, #tpu.memory_space<hbm>>
      tpu.enqueue_dma source(%dma_start3A_206 : memref<16x1024xf32, #tpu.memory_space<hbm>>) target(%arg5 : memref<16x1024xf32, #tpu.memory_space<vmem>>) target_semaphore(%arg11 : memref<!tpu.dma_semaphore, #tpu.memory_space<semaphore_mem>>)
      %parallel_loop3A_207 = arith.constant 0 : i32
      %parallel_loop3A_208 = arith.constant 1024 : i32
      %parallel_loop3A_209 = arith.constant 1 : i32
      scf.for %parallel_loop3A_511 = %parallel_loop3A_207 to %parallel_loop3A_208 step %parallel_loop3A_209  : i32 {
        %parallel_loop3A_512 = arith.constant 6 : i32
        %parallel_loop3A_513 = arith.shrsi %parallel_loop3A_511, %parallel_loop3A_512 : i32
        %parallel_loop3A_514 = arith.constant 63 : i32
        %parallel_loop3A_515 = arith.andi %parallel_loop3A_511, %parallel_loop3A_514 : i32
        %parallel_loop3A_516 = arith.constant 16 : i32
        %parallel_loop3A_517 = arith.muli %parallel_loop3A_515, %parallel_loop3A_516 : i32
        %parallel_loop3A_518 = arith.index_cast %parallel_loop3A_513 : i32 to index
        %parallel_loop3A_519 = arith.index_cast %parallel_loop3A_517 : i32 to index
        %parallel_loop3A_520 = tpu.vector_load %arg7[%parallel_loop3A_518, %parallel_loop3A_519] {strides = array<i32>} : memref<16x1024xf32, #tpu.memory_space<vmem>>, vector<1x16xf32>,
        %parallel_loop3A_521 = vector.shape_cast %parallel_loop3A_520 : vector<1x16xf32> to vector<16xf32>
        %parallel_loop3A_522 = arith.index_cast %parallel_loop3A_513 : i32 to index
        %parallel_loop3A_523 = arith.index_cast %parallel_loop3A_517 : i32 to index
        %parallel_loop3A_524 = tpu.vector_load %arg9[%parallel_loop3A_522, %parallel_loop3A_523] {strides = array<i32>} : memref<16x1024xf32, #tpu.memory_space<vmem>>, vector<1x16xf32>,
        %parallel_loop3A_525 = vector.shape_cast %parallel_loop3A_524 : vector<1x16xf32> to vector<16xf32>
        %parallel_loop3A_526 = arith.addf %parallel_loop3A_521, %parallel_loop3A_525 : vector<16xf32>
        %parallel_loop3A_527 = arith.index_cast %parallel_loop3A_513 : i32 to index
        %parallel_loop3A_528 = arith.index_cast %parallel_loop3A_517 : i32 to index
        %parallel_loop3A_529 = tpu.vector_load %arg7[%parallel_loop3A_527, %parallel_loop3A_528] {strides = array<i32>} : memref<16x1024xf32, #tpu.memory_space<vmem>>, vector<1x16xf32>,
        %parallel_loop3A_530 = vector.shape_cast %parallel_loop3A_529 : vector<1x16xf32> to vector<16xf32>
        %parallel_loop3A_531 = vector.shape_cast %parallel_loop3A_526 : vector<16xf32> to vector<1x16xf32>
        tpu.vector_store %arg7[%parallel_loop3A_527, %parallel_loop3A_528], %parallel_loop3A_531 {strides = array<i32>} : memref<16x1024xf32, #tpu.memory_space<vmem>>, vector<1x16xf32>,
      } {sc.loop_unroll_factor = 16 : i64, sc.parallel_access}
      %shift_right_arithmetic3A_210 = arith.constant 2 : i32
      %shift_right_arithmetic3A_211 = arith.shrsi %add3A_165, %shift_right_arithmetic3A_210 : i32
      %mul3A_212 = arith.constant 16 : i32
      %mul3A_213 = arith.muli %shift_right_arithmetic3A_211, %mul3A_212 : i32
      %add3A_214 = arith.addi %mul3A_2, %mul3A_213 : i32
      %dma_start3A_215 = arith.constant 2 : i32
      %dma_start3A_216 = arith.constant 0 : i32
      %dma_start3A_217 = tpu.memref_slice %arg4[%dma_start3A_215, %add3A_214, %dma_start3A_216] : memref<4x4096x1024xf32, #tpu.memory_space<hbm>> -> memref<1x16x1024xf32, #tpu.memory_space<hbm>>
      %dma_start3A_218 = tpu.memref_squeeze %dma_start3A_217 : memref<1x16x1024xf32, #tpu.memory_space<hbm>> -> memref<16x1024xf32, #tpu.memory_space<hbm>>
      %dma_start3A_219 = arith.constant 0 : i32
      %dma_start3A_220 = tpu.memref_slice %arg4[%dma_start3A_215, %add3A_214, %dma_start3A_219] : memref<4x4096x1024xf32, #tpu.memory_space<hbm>> -> memref<1x16x1024xf32, #tpu.memory_space<hbm>>
      %dma_start3A_221 = tpu.memref_squeeze %dma_start3A_220 : memref<1x16x1024xf32, #tpu.memory_space<hbm>> -> memref<16x1024xf32, #tpu.memory_space<hbm>>
      tpu.enqueue_dma source(%arg7 : memref<16x1024xf32, #tpu.memory_space<vmem>>) target(%dma_start3A_221 : memref<16x1024xf32, #tpu.memory_space<hbm>>) target_semaphore(%arg17 : memref<!tpu.dma_semaphore, #tpu.memory_space<semaphore_mem>>)
      %add3A_222 = arith.constant 3 : i32
      %add3A_223 = arith.addi %mul3A_52, %add3A_222 : i32
      %shift_right_arithmetic3A_224 = arith.constant 2 : i32
      %shift_right_arithmetic3A_225 = arith.shrsi %add3A_223, %shift_right_arithmetic3A_224 : i32
      %shift_right_arithmetic3A_226 = arith.constant 2 : i32
      %shift_right_arithmetic3A_227 = arith.shrsi %add3A_223, %shift_right_arithmetic3A_226 : i32
      %mul3A_228 = arith.constant 16 : i32
      %mul3A_229 = arith.muli %shift_right_arithmetic3A_227, %mul3A_228 : i32
      %add3A_230 = arith.addi %mul3A_2, %mul3A_229 : i32
      %dma_wait3A_231 = arith.constant 3 : i32
      %dma_wait3A_232 = arith.constant 0 : i32
      %dma_wait3A_233 = tpu.memref_slice %arg2[%dma_wait3A_231, %add3A_230, %dma_wait3A_232] : memref<4x4096x1024xf32, #tpu.memory_space<hbm>> -> memref<1x16x1024xf32, #tpu.memory_space<hbm>>
      %dma_wait3A_234 = tpu.memref_squeeze %dma_wait3A_233 : memref<1x16x1024xf32, #tpu.memory_space<hbm>> -> memref<16x1024xf32, #tpu.memory_space<hbm>>
      %dma_wait3A_235 = arith.constant 0 : i32
      %dma_wait3A_236 = tpu.memref_slice %arg2[%dma_wait3A_231, %add3A_230, %dma_wait3A_235] : memref<4x4096x1024xf32, #tpu.memory_space<hbm>> -> memref<1x16x1024xf32, #tpu.memory_space<hbm>>
      %dma_wait3A_237 = tpu.memref_squeeze %dma_wait3A_236 : memref<1x16x1024xf32, #tpu.memory_space<hbm>> -> memref<16x1024xf32, #tpu.memory_space<hbm>>
      tpu.wait_dma2 semaphore(%arg14 : memref<!tpu.dma_semaphore, #tpu.memory_space<semaphore_mem>>) src(%dma_wait3A_237 : memref<16x1024xf32, #tpu.memory_space<hbm>>) dst(%arg8 : memref<16x1024xf32, #tpu.memory_space<vmem>>)
      %sub3A_238 = arith.constant 2 : i32
      %sub3A_239 = arith.subi %add3A_223, %sub3A_238 : i32
      %shift_right_arithmetic3A_240 = arith.constant 2 : i32
      %shift_right_arithmetic3A_241 = arith.shrsi %sub3A_239, %shift_right_arithmetic3A_240 : i32
      %mul3A_242 = arith.constant 16 : i32
      %mul3A_243 = arith.muli %shift_right_arithmetic3A_241, %mul3A_242 : i32
      %add3A_244 = arith.addi %mul3A_2, %mul3A_243 : i32
      %dma_wait3A_245 = arith.constant 1 : i32
      %dma_wait3A_246 = arith.constant 0 : i32
      %dma_wait3A_247 = tpu.memref_slice %arg4[%dma_wait3A_245, %add3A_244, %dma_wait3A_246] : memref<4x4096x1024xf32, #tpu.memory_space<hbm>> -> memref<1x16x1024xf32, #tpu.memory_space<hbm>>
      %dma_wait3A_248 = tpu.memref_squeeze %dma_wait3A_247 : memref<1x16x1024xf32, #tpu.memory_space<hbm>> -> memref<16x1024xf32, #tpu.memory_space<hbm>>
      %dma_wait3A_249 = arith.constant 0 : i32
      %dma_wait3A_250 = tpu.memref_slice %arg4[%dma_wait3A_245, %add3A_244, %dma_wait3A_249] : memref<4x4096x1024xf32, #tpu.memory_space<hbm>> -> memref<1x16x1024xf32, #tpu.memory_space<hbm>>
      %dma_wait3A_251 = tpu.memref_squeeze %dma_wait3A_250 : memref<1x16x1024xf32, #tpu.memory_space<hbm>> -> memref<16x1024xf32, #tpu.memory_space<hbm>>
      tpu.wait_dma2 semaphore(%arg16 : memref<!tpu.dma_semaphore, #tpu.memory_space<semaphore_mem>>) src(%arg6 : memref<16x1024xf32, #tpu.memory_space<vmem>>) dst(%dma_wait3A_251 : memref<16x1024xf32, #tpu.memory_space<hbm>>)
      %add3A_252 = arith.constant 2 : i32
      %add3A_253 = arith.addi %add3A_223, %add3A_252 : i32
      %shift_right_arithmetic3A_254 = arith.constant 2 : i32
      %shift_right_arithmetic3A_255 = arith.shrsi %add3A_253, %shift_right_arithmetic3A_254 : i32
      %mul3A_256 = arith.constant 16 : i32
      %mul3A_257 = arith.muli %shift_right_arithmetic3A_255, %mul3A_256 : i32
      %add3A_258 = arith.addi %mul3A_2, %mul3A_257 : i32
      %dma_start3A_259 = arith.constant 1 : i32
      %dma_start3A_260 = arith.constant 0 : i32
      %dma_start3A_261 = tpu.memref_slice %arg2[%dma_start3A_259, %add3A_258, %dma_start3A_260] : memref<4x4096x1024xf32, #tpu.memory_space<hbm>> -> memref<1x16x1024xf32, #tpu.memory_space<hbm>>
      %dma_start3A_262 = tpu.memref_squeeze %dma_start3A_261 : memref<1x16x1024xf32, #tpu.memory_space<hbm>> -> memref<16x1024xf32, #tpu.memory_space<hbm>>
      %dma_start3A_263 = arith.constant 0 : i32
      %dma_start3A_264 = tpu.memref_slice %arg2[%dma_start3A_259, %add3A_258, %dma_start3A_263] : memref<4x4096x1024xf32, #tpu.memory_space<hbm>> -> memref<1x16x1024xf32, #tpu.memory_space<hbm>>
      %dma_start3A_265 = tpu.memref_squeeze %dma_start3A_264 : memref<1x16x1024xf32, #tpu.memory_space<hbm>> -> memref<16x1024xf32, #tpu.memory_space<hbm>>
      tpu.enqueue_dma source(%dma_start3A_265 : memref<16x1024xf32, #tpu.memory_space<hbm>>) target(%arg6 : memref<16x1024xf32, #tpu.memory_space<vmem>>) target_semaphore(%arg12 : memref<!tpu.dma_semaphore, #tpu.memory_space<semaphore_mem>>)
      %parallel_loop3A_266 = arith.constant 0 : i32
      %parallel_loop3A_267 = arith.constant 1024 : i32
      %parallel_loop3A_268 = arith.constant 1 : i32
      scf.for %parallel_loop3A_511 = %parallel_loop3A_266 to %parallel_loop3A_267 step %parallel_loop3A_268  : i32 {
        %parallel_loop3A_512 = arith.constant 6 : i32
        %parallel_loop3A_513 = arith.shrsi %parallel_loop3A_511, %parallel_loop3A_512 : i32
        %parallel_loop3A_514 = arith.constant 63 : i32
        %parallel_loop3A_515 = arith.andi %parallel_loop3A_511, %parallel_loop3A_514 : i32
        %parallel_loop3A_516 = arith.constant 16 : i32
        %parallel_loop3A_517 = arith.muli %parallel_loop3A_515, %parallel_loop3A_516 : i32
        %parallel_loop3A_518 = arith.index_cast %parallel_loop3A_513 : i32 to index
        %parallel_loop3A_519 = arith.index_cast %parallel_loop3A_517 : i32 to index
        %parallel_loop3A_520 = tpu.vector_load %arg8[%parallel_loop3A_518, %parallel_loop3A_519] {strides = array<i32>} : memref<16x1024xf32, #tpu.memory_space<vmem>>, vector<1x16xf32>,
        %parallel_loop3A_521 = vector.shape_cast %parallel_loop3A_520 : vector<1x16xf32> to vector<16xf32>
        %parallel_loop3A_522 = arith.index_cast %parallel_loop3A_513 : i32 to index
        %parallel_loop3A_523 = arith.index_cast %parallel_loop3A_517 : i32 to index
        %parallel_loop3A_524 = tpu.vector_load %arg9[%parallel_loop3A_522, %parallel_loop3A_523] {strides = array<i32>} : memref<16x1024xf32, #tpu.memory_space<vmem>>, vector<1x16xf32>,
        %parallel_loop3A_525 = vector.shape_cast %parallel_loop3A_524 : vector<1x16xf32> to vector<16xf32>
        %parallel_loop3A_526 = arith.addf %parallel_loop3A_521, %parallel_loop3A_525 : vector<16xf32>
        %parallel_loop3A_527 = arith.index_cast %parallel_loop3A_513 : i32 to index
        %parallel_loop3A_528 = arith.index_cast %parallel_loop3A_517 : i32 to index
        %parallel_loop3A_529 = tpu.vector_load %arg8[%parallel_loop3A_527, %parallel_loop3A_528] {strides = array<i32>} : memref<16x1024xf32, #tpu.memory_space<vmem>>, vector<1x16xf32>,
        %parallel_loop3A_530 = vector.shape_cast %parallel_loop3A_529 : vector<1x16xf32> to vector<16xf32>
        %parallel_loop3A_531 = vector.shape_cast %parallel_loop3A_526 : vector<16xf32> to vector<1x16xf32>
        tpu.vector_store %arg8[%parallel_loop3A_527, %parallel_loop3A_528], %parallel_loop3A_531 {strides = array<i32>} : memref<16x1024xf32, #tpu.memory_space<vmem>>, vector<1x16xf32>,
      } {sc.loop_unroll_factor = 16 : i64, sc.parallel_access}
      %shift_right_arithmetic3A_269 = arith.constant 2 : i32
      %shift_right_arithmetic3A_270 = arith.shrsi %add3A_223, %shift_right_arithmetic3A_269 : i32
      %mul3A_271 = arith.constant 16 : i32
      %mul3A_272 = arith.muli %shift_right_arithmetic3A_270, %mul3A_271 : i32
      %add3A_273 = arith.addi %mul3A_2, %mul3A_272 : i32
      %dma_start3A_274 = arith.constant 3 : i32
      %dma_start3A_275 = arith.constant 0 : i32
      %dma_start3A_276 = tpu.memref_slice %arg4[%dma_start3A_274, %add3A_273, %dma_start3A_275] : memref<4x4096x1024xf32, #tpu.memory_space<hbm>> -> memref<1x16x1024xf32, #tpu.memory_space<hbm>>
      %dma_start3A_277 = tpu.memref_squeeze %dma_start3A_276 : memref<1x16x1024xf32, #tpu.memory_space<hbm>> -> memref<16x1024xf32, #tpu.memory_space<hbm>>
      %dma_start3A_278 = arith.constant 0 : i32
      %dma_start3A_279 = tpu.memref_slice %arg4[%dma_start3A_274, %add3A_273, %dma_start3A_278] : memref<4x4096x1024xf32, #tpu.memory_space<hbm>> -> memref<1x16x1024xf32, #tpu.memory_space<hbm>>
      %dma_start3A_280 = tpu.memref_squeeze %dma_start3A_279 : memref<1x16x1024xf32, #tpu.memory_space<hbm>> -> memref<16x1024xf32, #tpu.memory_space<hbm>>
      tpu.enqueue_dma source(%arg8 : memref<16x1024xf32, #tpu.memory_space<vmem>>) target(%dma_start3A_280 : memref<16x1024xf32, #tpu.memory_space<hbm>>) target_semaphore(%arg18 : memref<!tpu.dma_semaphore, #tpu.memory_space<semaphore_mem>>)
      %add3A_281 = arith.constant 4 : i32
      %add3A_282 = arith.addi %mul3A_52, %add3A_281 : i32
      %shift_right_arithmetic3A_283 = arith.constant 2 : i32
      %shift_right_arithmetic3A_284 = arith.shrsi %add3A_282, %shift_right_arithmetic3A_283 : i32
      %mul3A_285 = arith.constant 16 : i32
      %mul3A_286 = arith.muli %shift_right_arithmetic3A_284, %mul3A_285 : i32
      %add3A_287 = arith.addi %mul3A_2, %mul3A_286 : i32
      %dma_wait3A_288 = arith.constant 0 : i32
      %dma_wait3A_289 = tpu.memref_slice %arg3[%add3A_287, %dma_wait3A_288] : memref<4096x1024xf32, #tpu.memory_space<hbm>> -> memref<16x1024xf32, #tpu.memory_space<hbm>>
      %dma_wait3A_290 = arith.constant 0 : i32
      %dma_wait3A_291 = tpu.memref_slice %arg3[%add3A_287, %dma_wait3A_290] : memref<4096x1024xf32, #tpu.memory_space<hbm>> -> memref<16x1024xf32, #tpu.memory_space<hbm>>
      tpu.wait_dma2 semaphore(%arg20 : memref<!tpu.dma_semaphore, #tpu.memory_space<semaphore_mem>>) src(%dma_wait3A_291 : memref<16x1024xf32, #tpu.memory_space<hbm>>) dst(%arg10 : memref<16x1024xf32, #tpu.memory_space<vmem>>)
      %shift_right_arithmetic3A_292 = arith.constant 2 : i32
      %shift_right_arithmetic3A_293 = arith.shrsi %add3A_282, %shift_right_arithmetic3A_292 : i32
      %mul3A_294 = arith.constant 16 : i32
      %mul3A_295 = arith.muli %shift_right_arithmetic3A_293, %mul3A_294 : i32
      %add3A_296 = arith.addi %mul3A_2, %mul3A_295 : i32
      %dma_wait3A_297 = arith.constant 0 : i32
      %dma_wait3A_298 = arith.constant 0 : i32
      %dma_wait3A_299 = tpu.memref_slice %arg2[%dma_wait3A_297, %add3A_296, %dma_wait3A_298] : memref<4x4096x1024xf32, #tpu.memory_space<hbm>> -> memref<1x16x1024xf32, #tpu.memory_space<hbm>>
      %dma_wait3A_300 = tpu.memref_squeeze %dma_wait3A_299 : memref<1x16x1024xf32, #tpu.memory_space<hbm>> -> memref<16x1024xf32, #tpu.memory_space<hbm>>
      %dma_wait3A_301 = arith.constant 0 : i32
      %dma_wait3A_302 = tpu.memref_slice %arg2[%dma_wait3A_297, %add3A_296, %dma_wait3A_301] : memref<4x4096x1024xf32, #tpu.memory_space<hbm>> -> memref<1x16x1024xf32, #tpu.memory_space<hbm>>
      %dma_wait3A_303 = tpu.memref_squeeze %dma_wait3A_302 : memref<1x16x1024xf32, #tpu.memory_space<hbm>> -> memref<16x1024xf32, #tpu.memory_space<hbm>>
      tpu.wait_dma2 semaphore(%arg11 : memref<!tpu.dma_semaphore, #tpu.memory_space<semaphore_mem>>) src(%dma_wait3A_303 : memref<16x1024xf32, #tpu.memory_space<hbm>>) dst(%arg5 : memref<16x1024xf32, #tpu.memory_space<vmem>>)
      %sub3A_304 = arith.constant 2 : i32
      %sub3A_305 = arith.subi %add3A_282, %sub3A_304 : i32
      %shift_right_arithmetic3A_306 = arith.constant 2 : i32
      %shift_right_arithmetic3A_307 = arith.shrsi %sub3A_305, %shift_right_arithmetic3A_306 : i32
      %mul3A_308 = arith.constant 16 : i32
      %mul3A_309 = arith.muli %shift_right_arithmetic3A_307, %mul3A_308 : i32
      %add3A_310 = arith.addi %mul3A_2, %mul3A_309 : i32
      %dma_wait3A_311 = arith.constant 2 : i32
      %dma_wait3A_312 = arith.constant 0 : i32
      %dma_wait3A_313 = tpu.memref_slice %arg4[%dma_wait3A_311, %add3A_310, %dma_wait3A_312] : memref<4x4096x1024xf32, #tpu.memory_space<hbm>> -> memref<1x16x1024xf32, #tpu.memory_space<hbm>>
      %dma_wait3A_314 = tpu.memref_squeeze %dma_wait3A_313 : memref<1x16x1024xf32, #tpu.memory_space<hbm>> -> memref<16x1024xf32, #tpu.memory_space<hbm>>
      %dma_wait3A_315 = arith.constant 0 : i32
      %dma_wait3A_316 = tpu.memref_slice %arg4[%dma_wait3A_311, %add3A_310, %dma_wait3A_315] : memref<4x4096x1024xf32, #tpu.memory_space<hbm>> -> memref<1x16x1024xf32, #tpu.memory_space<hbm>>
      %dma_wait3A_317 = tpu.memref_squeeze %dma_wait3A_316 : memref<1x16x1024xf32, #tpu.memory_space<hbm>> -> memref<16x1024xf32, #tpu.memory_space<hbm>>
      tpu.wait_dma2 semaphore(%arg17 : memref<!tpu.dma_semaphore, #tpu.memory_space<semaphore_mem>>) src(%arg7 : memref<16x1024xf32, #tpu.memory_space<vmem>>) dst(%dma_wait3A_317 : memref<16x1024xf32, #tpu.memory_space<hbm>>)
      %add3A_318 = arith.constant 2 : i32
      %add3A_319 = arith.addi %add3A_282, %add3A_318 : i32
      %shift_right_arithmetic3A_320 = arith.constant 2 : i32
      %shift_right_arithmetic3A_321 = arith.shrsi %add3A_319, %shift_right_arithmetic3A_320 : i32
      %mul3A_322 = arith.constant 16 : i32
      %mul3A_323 = arith.muli %shift_right_arithmetic3A_321, %mul3A_322 : i32
      %add3A_324 = arith.addi %mul3A_2, %mul3A_323 : i32
      %dma_start3A_325 = arith.constant 2 : i32
      %dma_start3A_326 = arith.constant 0 : i32
      %dma_start3A_327 = tpu.memref_slice %arg2[%dma_start3A_325, %add3A_324, %dma_start3A_326] : memref<4x4096x1024xf32, #tpu.memory_space<hbm>> -> memref<1x16x1024xf32, #tpu.memory_space<hbm>>
      %dma_start3A_328 = tpu.memref_squeeze %dma_start3A_327 : memref<1x16x1024xf32, #tpu.memory_space<hbm>> -> memref<16x1024xf32, #tpu.memory_space<hbm>>
      %dma_start3A_329 = arith.constant 0 : i32
      %dma_start3A_330 = tpu.memref_slice %arg2[%dma_start3A_325, %add3A_324, %dma_start3A_329] : memref<4x4096x1024xf32, #tpu.memory_space<hbm>> -> memref<1x16x1024xf32, #tpu.memory_space<hbm>>
      %dma_start3A_331 = tpu.memref_squeeze %dma_start3A_330 : memref<1x16x1024xf32, #tpu.memory_space<hbm>> -> memref<16x1024xf32, #tpu.memory_space<hbm>>
      tpu.enqueue_dma source(%dma_start3A_331 : memref<16x1024xf32, #tpu.memory_space<hbm>>) target(%arg7 : memref<16x1024xf32, #tpu.memory_space<vmem>>) target_semaphore(%arg13 : memref<!tpu.dma_semaphore, #tpu.memory_space<semaphore_mem>>)
      %parallel_loop3A_332 = arith.constant 0 : i32
      %parallel_loop3A_333 = arith.constant 1024 : i32
      %parallel_loop3A_334 = arith.constant 1 : i32
      scf.for %parallel_loop3A_511 = %parallel_loop3A_332 to %parallel_loop3A_333 step %parallel_loop3A_334  : i32 {
        %parallel_loop3A_512 = arith.constant 6 : i32
        %parallel_loop3A_513 = arith.shrsi %parallel_loop3A_511, %parallel_loop3A_512 : i32
        %parallel_loop3A_514 = arith.constant 63 : i32
        %parallel_loop3A_515 = arith.andi %parallel_loop3A_511, %parallel_loop3A_514 : i32
        %parallel_loop3A_516 = arith.constant 16 : i32
        %parallel_loop3A_517 = arith.muli %parallel_loop3A_515, %parallel_loop3A_516 : i32
        %parallel_loop3A_518 = arith.index_cast %parallel_loop3A_513 : i32 to index
        %parallel_loop3A_519 = arith.index_cast %parallel_loop3A_517 : i32 to index
        %parallel_loop3A_520 = tpu.vector_load %arg5[%parallel_loop3A_518, %parallel_loop3A_519] {strides = array<i32>} : memref<16x1024xf32, #tpu.memory_space<vmem>>, vector<1x16xf32>,
        %parallel_loop3A_521 = vector.shape_cast %parallel_loop3A_520 : vector<1x16xf32> to vector<16xf32>
        %parallel_loop3A_522 = arith.index_cast %parallel_loop3A_513 : i32 to index
        %parallel_loop3A_523 = arith.index_cast %parallel_loop3A_517 : i32 to index
        %parallel_loop3A_524 = tpu.vector_load %arg10[%parallel_loop3A_522, %parallel_loop3A_523] {strides = array<i32>} : memref<16x1024xf32, #tpu.memory_space<vmem>>, vector<1x16xf32>,
        %parallel_loop3A_525 = vector.shape_cast %parallel_loop3A_524 : vector<1x16xf32> to vector<16xf32>
        %parallel_loop3A_526 = arith.addf %parallel_loop3A_521, %parallel_loop3A_525 : vector<16xf32>
        %parallel_loop3A_527 = arith.index_cast %parallel_loop3A_513 : i32 to index
        %parallel_loop3A_528 = arith.index_cast %parallel_loop3A_517 : i32 to index
        %parallel_loop3A_529 = tpu.vector_load %arg5[%parallel_loop3A_527, %parallel_loop3A_528] {strides = array<i32>} : memref<16x1024xf32, #tpu.memory_space<vmem>>, vector<1x16xf32>,
        %parallel_loop3A_530 = vector.shape_cast %parallel_loop3A_529 : vector<1x16xf32> to vector<16xf32>
        %parallel_loop3A_531 = vector.shape_cast %parallel_loop3A_526 : vector<16xf32> to vector<1x16xf32>
        tpu.vector_store %arg5[%parallel_loop3A_527, %parallel_loop3A_528], %parallel_loop3A_531 {strides = array<i32>} : memref<16x1024xf32, #tpu.memory_space<vmem>>, vector<1x16xf32>,
      } {sc.loop_unroll_factor = 16 : i64, sc.parallel_access}
      %shift_right_arithmetic3A_335 = arith.constant 2 : i32
      %shift_right_arithmetic3A_336 = arith.shrsi %add3A_282, %shift_right_arithmetic3A_335 : i32
      %mul3A_337 = arith.constant 16 : i32
      %mul3A_338 = arith.muli %shift_right_arithmetic3A_336, %mul3A_337 : i32
      %add3A_339 = arith.addi %mul3A_2, %mul3A_338 : i32
      %dma_start3A_340 = arith.constant 0 : i32
      %dma_start3A_341 = arith.constant 0 : i32
      %dma_start3A_342 = tpu.memref_slice %arg4[%dma_start3A_340, %add3A_339, %dma_start3A_341] : memref<4x4096x1024xf32, #tpu.memory_space<hbm>> -> memref<1x16x1024xf32, #tpu.memory_space<hbm>>
      %dma_start3A_343 = tpu.memref_squeeze %dma_start3A_342 : memref<1x16x1024xf32, #tpu.memory_space<hbm>> -> memref<16x1024xf32, #tpu.memory_space<hbm>>
      %dma_start3A_344 = arith.constant 0 : i32
      %dma_start3A_345 = tpu.memref_slice %arg4[%dma_start3A_340, %add3A_339, %dma_start3A_344] : memref<4x4096x1024xf32, #tpu.memory_space<hbm>> -> memref<1x16x1024xf32, #tpu.memory_space<hbm>>
      %dma_start3A_346 = tpu.memref_squeeze %dma_start3A_345 : memref<1x16x1024xf32, #tpu.memory_space<hbm>> -> memref<16x1024xf32, #tpu.memory_space<hbm>>
      tpu.enqueue_dma source(%arg5 : memref<16x1024xf32, #tpu.memory_space<vmem>>) target(%dma_start3A_346 : memref<16x1024xf32, #tpu.memory_space<hbm>>) target_semaphore(%arg15 : memref<!tpu.dma_semaphore, #tpu.memory_space<semaphore_mem>>)
      %add3A_347 = arith.constant 5 : i32
      %add3A_348 = arith.addi %mul3A_52, %add3A_347 : i32
      %shift_right_arithmetic3A_349 = arith.constant 2 : i32
      %shift_right_arithmetic3A_350 = arith.shrsi %add3A_348, %shift_right_arithmetic3A_349 : i32
      %lt3A = arith.constant 24 : i32
      %lt3A_351 = arith.cmpi slt, %mul3A_52, %lt3A : i32
      %convert_element_type3A_352 = arith.extui %lt3A_351 : i1 to i32
      %cond3A_353 = arith.constant 0 : i32
      %cond3A_354 = arith.cmpi ne, %convert_element_type3A_352, %cond3A_353 : i32
      scf.if %cond3A_354 {
        %add3A_511 = arith.constant 1 : i32
        %add3A_512 = arith.addi %shift_right_arithmetic3A_350, %add3A_511 : i32
        %mul3A_513 = arith.constant 16 : i32
        %mul3A_514 = arith.muli %add3A_512, %mul3A_513 : i32
        %add3A_515 = arith.addi %mul3A_2, %mul3A_514 : i32
        %dma_start3A_516 = arith.constant 0 : i32
        %dma_start3A_517 = tpu.memref_slice %arg3[%add3A_515, %dma_start3A_516] : memref<4096x1024xf32, #tpu.memory_space<hbm>> -> memref<16x1024xf32, #tpu.memory_space<hbm>>
        %dma_start3A_518 = arith.constant 0 : i32
        %dma_start3A_519 = tpu.memref_slice %arg3[%add3A_515, %dma_start3A_518] : memref<4096x1024xf32, #tpu.memory_space<hbm>> -> memref<16x1024xf32, #tpu.memory_space<hbm>>
        tpu.enqueue_dma source(%dma_start3A_519 : memref<16x1024xf32, #tpu.memory_space<hbm>>) target(%arg9 : memref<16x1024xf32, #tpu.memory_space<vmem>>) target_semaphore(%arg19 : memref<!tpu.dma_semaphore, #tpu.memory_space<semaphore_mem>>)
      } else {
      }
      %shift_right_arithmetic3A_355 = arith.constant 2 : i32
      %shift_right_arithmetic3A_356 = arith.shrsi %add3A_348, %shift_right_arithmetic3A_355 : i32
      %mul3A_357 = arith.constant 16 : i32
      %mul3A_358 = arith.muli %shift_right_arithmetic3A_356, %mul3A_357 : i32
      %add3A_359 = arith.addi %mul3A_2, %mul3A_358 : i32
      %dma_wait3A_360 = arith.constant 1 : i32
      %dma_wait3A_361 = arith.constant 0 : i32
      %dma_wait3A_362 = tpu.memref_slice %arg2[%dma_wait3A_360, %add3A_359, %dma_wait3A_361] : memref<4x4096x1024xf32, #tpu.memory_space<hbm>> -> memref<1x16x1024xf32, #tpu.memory_space<hbm>>
      %dma_wait3A_363 = tpu.memref_squeeze %dma_wait3A_362 : memref<1x16x1024xf32, #tpu.memory_space<hbm>> -> memref<16x1024xf32, #tpu.memory_space<hbm>>
      %dma_wait3A_364 = arith.constant 0 : i32
      %dma_wait3A_365 = tpu.memref_slice %arg2[%dma_wait3A_360, %add3A_359, %dma_wait3A_364] : memref<4x4096x1024xf32, #tpu.memory_space<hbm>> -> memref<1x16x1024xf32, #tpu.memory_space<hbm>>
      %dma_wait3A_366 = tpu.memref_squeeze %dma_wait3A_365 : memref<1x16x1024xf32, #tpu.memory_space<hbm>> -> memref<16x1024xf32, #tpu.memory_space<hbm>>
      tpu.wait_dma2 semaphore(%arg12 : memref<!tpu.dma_semaphore, #tpu.memory_space<semaphore_mem>>) src(%dma_wait3A_366 : memref<16x1024xf32, #tpu.memory_space<hbm>>) dst(%arg6 : memref<16x1024xf32, #tpu.memory_space<vmem>>)
      %sub3A_367 = arith.constant 2 : i32
      %sub3A_368 = arith.subi %add3A_348, %sub3A_367 : i32
      %shift_right_arithmetic3A_369 = arith.constant 2 : i32
      %shift_right_arithmetic3A_370 = arith.shrsi %sub3A_368, %shift_right_arithmetic3A_369 : i32
      %mul3A_371 = arith.constant 16 : i32
      %mul3A_372 = arith.muli %shift_right_arithmetic3A_370, %mul3A_371 : i32
      %add3A_373 = arith.addi %mul3A_2, %mul3A_372 : i32
      %dma_wait3A_374 = arith.constant 3 : i32
      %dma_wait3A_375 = arith.constant 0 : i32
      %dma_wait3A_376 = tpu.memref_slice %arg4[%dma_wait3A_374, %add3A_373, %dma_wait3A_375] : memref<4x4096x1024xf32, #tpu.memory_space<hbm>> -> memref<1x16x1024xf32, #tpu.memory_space<hbm>>
      %dma_wait3A_377 = tpu.memref_squeeze %dma_wait3A_376 : memref<1x16x1024xf32, #tpu.memory_space<hbm>> -> memref<16x1024xf32, #tpu.memory_space<hbm>>
      %dma_wait3A_378 = arith.constant 0 : i32
      %dma_wait3A_379 = tpu.memref_slice %arg4[%dma_wait3A_374, %add3A_373, %dma_wait3A_378] : memref<4x4096x1024xf32, #tpu.memory_space<hbm>> -> memref<1x16x1024xf32, #tpu.memory_space<hbm>>
      %dma_wait3A_380 = tpu.memref_squeeze %dma_wait3A_379 : memref<1x16x1024xf32, #tpu.memory_space<hbm>> -> memref<16x1024xf32, #tpu.memory_space<hbm>>
      tpu.wait_dma2 semaphore(%arg18 : memref<!tpu.dma_semaphore, #tpu.memory_space<semaphore_mem>>) src(%arg8 : memref<16x1024xf32, #tpu.memory_space<vmem>>) dst(%dma_wait3A_380 : memref<16x1024xf32, #tpu.memory_space<hbm>>)
      %add3A_381 = arith.constant 2 : i32
      %add3A_382 = arith.addi %add3A_348, %add3A_381 : i32
      %shift_right_arithmetic3A_383 = arith.constant 2 : i32
      %shift_right_arithmetic3A_384 = arith.shrsi %add3A_382, %shift_right_arithmetic3A_383 : i32
      %mul3A_385 = arith.constant 16 : i32
      %mul3A_386 = arith.muli %shift_right_arithmetic3A_384, %mul3A_385 : i32
      %add3A_387 = arith.addi %mul3A_2, %mul3A_386 : i32
      %dma_start3A_388 = arith.constant 3 : i32
      %dma_start3A_389 = arith.constant 0 : i32
      %dma_start3A_390 = tpu.memref_slice %arg2[%dma_start3A_388, %add3A_387, %dma_start3A_389] : memref<4x4096x1024xf32, #tpu.memory_space<hbm>> -> memref<1x16x1024xf32, #tpu.memory_space<hbm>>
      %dma_start3A_391 = tpu.memref_squeeze %dma_start3A_390 : memref<1x16x1024xf32, #tpu.memory_space<hbm>> -> memref<16x1024xf32, #tpu.memory_space<hbm>>
      %dma_start3A_392 = arith.constant 0 : i32
      %dma_start3A_393 = tpu.memref_slice %arg2[%dma_start3A_388, %add3A_387, %dma_start3A_392] : memref<4x4096x1024xf32, #tpu.memory_space<hbm>> -> memref<1x16x1024xf32, #tpu.memory_space<hbm>>
      %dma_start3A_394 = tpu.memref_squeeze %dma_start3A_393 : memref<1x16x1024xf32, #tpu.memory_space<hbm>> -> memref<16x1024xf32, #tpu.memory_space<hbm>>
      tpu.enqueue_dma source(%dma_start3A_394 : memref<16x1024xf32, #tpu.memory_space<hbm>>) target(%arg8 : memref<16x1024xf32, #tpu.memory_space<vmem>>) target_semaphore(%arg14 : memref<!tpu.dma_semaphore, #tpu.memory_space<semaphore_mem>>)
      %parallel_loop3A_395 = arith.constant 0 : i32
      %parallel_loop3A_396 = arith.constant 1024 : i32
      %parallel_loop3A_397 = arith.constant 1 : i32
      scf.for %parallel_loop3A_511 = %parallel_loop3A_395 to %parallel_loop3A_396 step %parallel_loop3A_397  : i32 {
        %parallel_loop3A_512 = arith.constant 6 : i32
        %parallel_loop3A_513 = arith.shrsi %parallel_loop3A_511, %parallel_loop3A_512 : i32
        %parallel_loop3A_514 = arith.constant 63 : i32
        %parallel_loop3A_515 = arith.andi %parallel_loop3A_511, %parallel_loop3A_514 : i32
        %parallel_loop3A_516 = arith.constant 16 : i32
        %parallel_loop3A_517 = arith.muli %parallel_loop3A_515, %parallel_loop3A_516 : i32
        %parallel_loop3A_518 = arith.index_cast %parallel_loop3A_513 : i32 to index
        %parallel_loop3A_519 = arith.index_cast %parallel_loop3A_517 : i32 to index
        %parallel_loop3A_520 = tpu.vector_load %arg6[%parallel_loop3A_518, %parallel_loop3A_519] {strides = array<i32>} : memref<16x1024xf32, #tpu.memory_space<vmem>>, vector<1x16xf32>,
        %parallel_loop3A_521 = vector.shape_cast %parallel_loop3A_520 : vector<1x16xf32> to vector<16xf32>
        %parallel_loop3A_522 = arith.index_cast %parallel_loop3A_513 : i32 to index
        %parallel_loop3A_523 = arith.index_cast %parallel_loop3A_517 : i32 to index
        %parallel_loop3A_524 = tpu.vector_load %arg10[%parallel_loop3A_522, %parallel_loop3A_523] {strides = array<i32>} : memref<16x1024xf32, #tpu.memory_space<vmem>>, vector<1x16xf32>,
        %parallel_loop3A_525 = vector.shape_cast %parallel_loop3A_524 : vector<1x16xf32> to vector<16xf32>
        %parallel_loop3A_526 = arith.addf %parallel_loop3A_521, %parallel_loop3A_525 : vector<16xf32>
        %parallel_loop3A_527 = arith.index_cast %parallel_loop3A_513 : i32 to index
        %parallel_loop3A_528 = arith.index_cast %parallel_loop3A_517 : i32 to index
        %parallel_loop3A_529 = tpu.vector_load %arg6[%parallel_loop3A_527, %parallel_loop3A_528] {strides = array<i32>} : memref<16x1024xf32, #tpu.memory_space<vmem>>, vector<1x16xf32>,
        %parallel_loop3A_530 = vector.shape_cast %parallel_loop3A_529 : vector<1x16xf32> to vector<16xf32>
        %parallel_loop3A_531 = vector.shape_cast %parallel_loop3A_526 : vector<16xf32> to vector<1x16xf32>
        tpu.vector_store %arg6[%parallel_loop3A_527, %parallel_loop3A_528], %parallel_loop3A_531 {strides = array<i32>} : memref<16x1024xf32, #tpu.memory_space<vmem>>, vector<1x16xf32>,
      } {sc.loop_unroll_factor = 16 : i64, sc.parallel_access}
      %shift_right_arithmetic3A_398 = arith.constant 2 : i32
      %shift_right_arithmetic3A_399 = arith.shrsi %add3A_348, %shift_right_arithmetic3A_398 : i32
      %mul3A_400 = arith.constant 16 : i32
      %mul3A_401 = arith.muli %shift_right_arithmetic3A_399, %mul3A_400 : i32
      %add3A_402 = arith.addi %mul3A_2, %mul3A_401 : i32
      %dma_start3A_403 = arith.constant 1 : i32
      %dma_start3A_404 = arith.constant 0 : i32
      %dma_start3A_405 = tpu.memref_slice %arg4[%dma_start3A_403, %add3A_402, %dma_start3A_404] : memref<4x4096x1024xf32, #tpu.memory_space<hbm>> -> memref<1x16x1024xf32, #tpu.memory_space<hbm>>
      %dma_start3A_406 = tpu.memref_squeeze %dma_start3A_405 : memref<1x16x1024xf32, #tpu.memory_space<hbm>> -> memref<16x1024xf32, #tpu.memory_space<hbm>>
      %dma_start3A_407 = arith.constant 0 : i32
      %dma_start3A_408 = tpu.memref_slice %arg4[%dma_start3A_403, %add3A_402, %dma_start3A_407] : memref<4x4096x1024xf32, #tpu.memory_space<hbm>> -> memref<1x16x1024xf32, #tpu.memory_space<hbm>>
      %dma_start3A_409 = tpu.memref_squeeze %dma_start3A_408 : memref<1x16x1024xf32, #tpu.memory_space<hbm>> -> memref<16x1024xf32, #tpu.memory_space<hbm>>
      tpu.enqueue_dma source(%arg6 : memref<16x1024xf32, #tpu.memory_space<vmem>>) target(%dma_start3A_409 : memref<16x1024xf32, #tpu.memory_space<hbm>>) target_semaphore(%arg16 : memref<!tpu.dma_semaphore, #tpu.memory_space<semaphore_mem>>)
      %add3A_410 = arith.constant 6 : i32
      %add3A_411 = arith.addi %mul3A_52, %add3A_410 : i32
      %shift_right_arithmetic3A_412 = arith.constant 2 : i32
      %shift_right_arithmetic3A_413 = arith.shrsi %add3A_411, %shift_right_arithmetic3A_412 : i32
      %shift_right_arithmetic3A_414 = arith.constant 2 : i32
      %shift_right_arithmetic3A_415 = arith.shrsi %add3A_411, %shift_right_arithmetic3A_414 : i32
      %mul3A_416 = arith.constant 16 : i32
      %mul3A_417 = arith.muli %shift_right_arithmetic3A_415, %mul3A_416 : i32
      %add3A_418 = arith.addi %mul3A_2, %mul3A_417 : i32
      %dma_wait3A_419 = arith.constant 2 : i32
      %dma_wait3A_420 = arith.constant 0 : i32
      %dma_wait3A_421 = tpu.memref_slice %arg2[%dma_wait3A_419, %add3A_418, %dma_wait3A_420] : memref<4x4096x1024xf32, #tpu.memory_space<hbm>> -> memref<1x16x1024xf32, #tpu.memory_space<hbm>>
      %dma_wait3A_422 = tpu.memref_squeeze %dma_wait3A_421 : memref<1x16x1024xf32, #tpu.memory_space<hbm>> -> memref<16x1024xf32, #tpu.memory_space<hbm>>
      %dma_wait3A_423 = arith.constant 0 : i32
      %dma_wait3A_424 = tpu.memref_slice %arg2[%dma_wait3A_419, %add3A_418, %dma_wait3A_423] : memref<4x4096x1024xf32, #tpu.memory_space<hbm>> -> memref<1x16x1024xf32, #tpu.memory_space<hbm>>
      %dma_wait3A_425 = tpu.memref_squeeze %dma_wait3A_424 : memref<1x16x1024xf32, #tpu.memory_space<hbm>> -> memref<16x1024xf32, #tpu.memory_space<hbm>>
      tpu.wait_dma2 semaphore(%arg13 : memref<!tpu.dma_semaphore, #tpu.memory_space<semaphore_mem>>) src(%dma_wait3A_425 : memref<16x1024xf32, #tpu.memory_space<hbm>>) dst(%arg7 : memref<16x1024xf32, #tpu.memory_space<vmem>>)
      %sub3A_426 = arith.constant 2 : i32
      %sub3A_427 = arith.subi %add3A_411, %sub3A_426 : i32
      %shift_right_arithmetic3A_428 = arith.constant 2 : i32
      %shift_right_arithmetic3A_429 = arith.shrsi %sub3A_427, %shift_right_arithmetic3A_428 : i32
      %mul3A_430 = arith.constant 16 : i32
      %mul3A_431 = arith.muli %shift_right_arithmetic3A_429, %mul3A_430 : i32
      %add3A_432 = arith.addi %mul3A_2, %mul3A_431 : i32
      %dma_wait3A_433 = arith.constant 0 : i32
      %dma_wait3A_434 = arith.constant 0 : i32
      %dma_wait3A_435 = tpu.memref_slice %arg4[%dma_wait3A_433, %add3A_432, %dma_wait3A_434] : memref<4x4096x1024xf32, #tpu.memory_space<hbm>> -> memref<1x16x1024xf32, #tpu.memory_space<hbm>>
      %dma_wait3A_436 = tpu.memref_squeeze %dma_wait3A_435 : memref<1x16x1024xf32, #tpu.memory_space<hbm>> -> memref<16x1024xf32, #tpu.memory_space<hbm>>
      %dma_wait3A_437 = arith.constant 0 : i32
      %dma_wait3A_438 = tpu.memref_slice %arg4[%dma_wait3A_433, %add3A_432, %dma_wait3A_437] : memref<4x4096x1024xf32, #tpu.memory_space<hbm>> -> memref<1x16x1024xf32, #tpu.memory_space<hbm>>
      %dma_wait3A_439 = tpu.memref_squeeze %dma_wait3A_438 : memref<1x16x1024xf32, #tpu.memory_space<hbm>> -> memref<16x1024xf32, #tpu.memory_space<hbm>>
      tpu.wait_dma2 semaphore(%arg15 : memref<!tpu.dma_semaphore, #tpu.memory_space<semaphore_mem>>) src(%arg5 : memref<16x1024xf32, #tpu.memory_space<vmem>>) dst(%dma_wait3A_439 : memref<16x1024xf32, #tpu.memory_space<hbm>>)
      %lt3A_440 = arith.constant 24 : i32
      %lt3A_441 = arith.cmpi slt, %mul3A_52, %lt3A_440 : i32
      %convert_element_type3A_442 = arith.extui %lt3A_441 : i1 to i32
      %cond3A_443 = arith.constant 0 : i32
      %cond3A_444 = arith.cmpi ne, %convert_element_type3A_442, %cond3A_443 : i32
      scf.if %cond3A_444 {
        %add3A_511 = arith.constant 2 : i32
        %add3A_512 = arith.addi %add3A_411, %add3A_511 : i32
        %shift_right_arithmetic3A_513 = arith.constant 2 : i32
        %shift_right_arithmetic3A_514 = arith.shrsi %add3A_512, %shift_right_arithmetic3A_513 : i32
        %mul3A_515 = arith.constant 16 : i32
        %mul3A_516 = arith.muli %shift_right_arithmetic3A_514, %mul3A_515 : i32
        %add3A_517 = arith.addi %mul3A_2, %mul3A_516 : i32
        %dma_start3A_518 = arith.constant 0 : i32
        %dma_start3A_519 = arith.constant 0 : i32
        %dma_start3A_520 = tpu.memref_slice %arg2[%dma_start3A_518, %add3A_517, %dma_start3A_519] : memref<4x4096x1024xf32, #tpu.memory_space<hbm>> -> memref<1x16x1024xf32, #tpu.memory_space<hbm>>
        %dma_start3A_521 = tpu.memref_squeeze %dma_start3A_520 : memref<1x16x1024xf32, #tpu.memory_space<hbm>> -> memref<16x1024xf32, #tpu.memory_space<hbm>>
        %dma_start3A_522 = arith.constant 0 : i32
        %dma_start3A_523 = tpu.memref_slice %arg2[%dma_start3A_518, %add3A_517, %dma_start3A_522] : memref<4x4096x1024xf32, #tpu.memory_space<hbm>> -> memref<1x16x1024xf32, #tpu.memory_space<hbm>>
        %dma_start3A_524 = tpu.memref_squeeze %dma_start3A_523 : memref<1x16x1024xf32, #tpu.memory_space<hbm>> -> memref<16x1024xf32, #tpu.memory_space<hbm>>
        tpu.enqueue_dma source(%dma_start3A_524 : memref<16x1024xf32, #tpu.memory_space<hbm>>) target(%arg5 : memref<16x1024xf32, #tpu.memory_space<vmem>>) target_semaphore(%arg11 : memref<!tpu.dma_semaphore, #tpu.memory_space<semaphore_mem>>)
      } else {
      }
      %parallel_loop3A_445 = arith.constant 0 : i32
      %parallel_loop3A_446 = arith.constant 1024 : i32
      %parallel_loop3A_447 = arith.constant 1 : i32
      scf.for %parallel_loop3A_511 = %parallel_loop3A_445 to %parallel_loop3A_446 step %parallel_loop3A_447  : i32 {
        %parallel_loop3A_512 = arith.constant 6 : i32
        %parallel_loop3A_513 = arith.shrsi %parallel_loop3A_511, %parallel_loop3A_512 : i32
        %parallel_loop3A_514 = arith.constant 63 : i32
        %parallel_loop3A_515 = arith.andi %parallel_loop3A_511, %parallel_loop3A_514 : i32
        %parallel_loop3A_516 = arith.constant 16 : i32
        %parallel_loop3A_517 = arith.muli %parallel_loop3A_515, %parallel_loop3A_516 : i32
        %parallel_loop3A_518 = arith.index_cast %parallel_loop3A_513 : i32 to index
        %parallel_loop3A_519 = arith.index_cast %parallel_loop3A_517 : i32 to index
        %parallel_loop3A_520 = tpu.vector_load %arg7[%parallel_loop3A_518, %parallel_loop3A_519] {strides = array<i32>} : memref<16x1024xf32, #tpu.memory_space<vmem>>, vector<1x16xf32>,
        %parallel_loop3A_521 = vector.shape_cast %parallel_loop3A_520 : vector<1x16xf32> to vector<16xf32>
        %parallel_loop3A_522 = arith.index_cast %parallel_loop3A_513 : i32 to index
        %parallel_loop3A_523 = arith.index_cast %parallel_loop3A_517 : i32 to index
        %parallel_loop3A_524 = tpu.vector_load %arg10[%parallel_loop3A_522, %parallel_loop3A_523] {strides = array<i32>} : memref<16x1024xf32, #tpu.memory_space<vmem>>, vector<1x16xf32>,
        %parallel_loop3A_525 = vector.shape_cast %parallel_loop3A_524 : vector<1x16xf32> to vector<16xf32>
        %parallel_loop3A_526 = arith.addf %parallel_loop3A_521, %parallel_loop3A_525 : vector<16xf32>
        %parallel_loop3A_527 = arith.index_cast %parallel_loop3A_513 : i32 to index
        %parallel_loop3A_528 = arith.index_cast %parallel_loop3A_517 : i32 to index
        %parallel_loop3A_529 = tpu.vector_load %arg7[%parallel_loop3A_527, %parallel_loop3A_528] {strides = array<i32>} : memref<16x1024xf32, #tpu.memory_space<vmem>>, vector<1x16xf32>,
        %parallel_loop3A_530 = vector.shape_cast %parallel_loop3A_529 : vector<1x16xf32> to vector<16xf32>
        %parallel_loop3A_531 = vector.shape_cast %parallel_loop3A_526 : vector<16xf32> to vector<1x16xf32>
        tpu.vector_store %arg7[%parallel_loop3A_527, %parallel_loop3A_528], %parallel_loop3A_531 {strides = array<i32>} : memref<16x1024xf32, #tpu.memory_space<vmem>>, vector<1x16xf32>,
      } {sc.loop_unroll_factor = 16 : i64, sc.parallel_access}
      %shift_right_arithmetic3A_448 = arith.constant 2 : i32
      %shift_right_arithmetic3A_449 = arith.shrsi %add3A_411, %shift_right_arithmetic3A_448 : i32
      %mul3A_450 = arith.constant 16 : i32
      %mul3A_451 = arith.muli %shift_right_arithmetic3A_449, %mul3A_450 : i32
      %add3A_452 = arith.addi %mul3A_2, %mul3A_451 : i32
      %dma_start3A_453 = arith.constant 2 : i32
      %dma_start3A_454 = arith.constant 0 : i32
      %dma_start3A_455 = tpu.memref_slice %arg4[%dma_start3A_453, %add3A_452, %dma_start3A_454] : memref<4x4096x1024xf32, #tpu.memory_space<hbm>> -> memref<1x16x1024xf32, #tpu.memory_space<hbm>>
      %dma_start3A_456 = tpu.memref_squeeze %dma_start3A_455 : memref<1x16x1024xf32, #tpu.memory_space<hbm>> -> memref<16x1024xf32, #tpu.memory_space<hbm>>
      %dma_start3A_457 = arith.constant 0 : i32
      %dma_start3A_458 = tpu.memref_slice %arg4[%dma_start3A_453, %add3A_452, %dma_start3A_457] : memref<4x4096x1024xf32, #tpu.memory_space<hbm>> -> memref<1x16x1024xf32, #tpu.memory_space<hbm>>
      %dma_start3A_459 = tpu.memref_squeeze %dma_start3A_458 : memref<1x16x1024xf32, #tpu.memory_space<hbm>> -> memref<16x1024xf32, #tpu.memory_space<hbm>>
      tpu.enqueue_dma source(%arg7 : memref<16x1024xf32, #tpu.memory_space<vmem>>) target(%dma_start3A_459 : memref<16x1024xf32, #tpu.memory_space<hbm>>) target_semaphore(%arg17 : memref<!tpu.dma_semaphore, #tpu.memory_space<semaphore_mem>>)
      %add3A_460 = arith.constant 7 : i32
      %add3A_461 = arith.addi %mul3A_52, %add3A_460 : i32
      %shift_right_arithmetic3A_462 = arith.constant 2 : i32
      %shift_right_arithmetic3A_463 = arith.shrsi %add3A_461, %shift_right_arithmetic3A_462 : i32
      %shift_right_arithmetic3A_464 = arith.constant 2 : i32
      %shift_right_arithmetic3A_465 = arith.shrsi %add3A_461, %shift_right_arithmetic3A_464 : i32
      %mul3A_466 = arith.constant 16 : i32
      %mul3A_467 = arith.muli %shift_right_arithmetic3A_465, %mul3A_466 : i32
      %add3A_468 = arith.addi %mul3A_2, %mul3A_467 : i32
      %dma_wait3A_469 = arith.constant 3 : i32
      %dma_wait3A_470 = arith.constant 0 : i32
      %dma_wait3A_471 = tpu.memref_slice %arg2[%dma_wait3A_469, %add3A_468, %dma_wait3A_470] : memref<4x4096x1024xf32, #tpu.memory_space<hbm>> -> memref<1x16x1024xf32, #tpu.memory_space<hbm>>
      %dma_wait3A_472 = tpu.memref_squeeze %dma_wait3A_471 : memref<1x16x1024xf32, #tpu.memory_space<hbm>> -> memref<16x1024xf32, #tpu.memory_space<hbm>>
      %dma_wait3A_473 = arith.constant 0 : i32
      %dma_wait3A_474 = tpu.memref_slice %arg2[%dma_wait3A_469, %add3A_468, %dma_wait3A_473] : memref<4x4096x1024xf32, #tpu.memory_space<hbm>> -> memref<1x16x1024xf32, #tpu.memory_space<hbm>>
      %dma_wait3A_475 = tpu.memref_squeeze %dma_wait3A_474 : memref<1x16x1024xf32, #tpu.memory_space<hbm>> -> memref<16x1024xf32, #tpu.memory_space<hbm>>
      tpu.wait_dma2 semaphore(%arg14 : memref<!tpu.dma_semaphore, #tpu.memory_space<semaphore_mem>>) src(%dma_wait3A_475 : memref<16x1024xf32, #tpu.memory_space<hbm>>) dst(%arg8 : memref<16x1024xf32, #tpu.memory_space<vmem>>)
      %sub3A_476 = arith.constant 2 : i32
      %sub3A_477 = arith.subi %add3A_461, %sub3A_476 : i32
      %shift_right_arithmetic3A_478 = arith.constant 2 : i32
      %shift_right_arithmetic3A_479 = arith.shrsi %sub3A_477, %shift_right_arithmetic3A_478 : i32
      %mul3A_480 = arith.constant 16 : i32
      %mul3A_481 = arith.muli %shift_right_arithmetic3A_479, %mul3A_480 : i32
      %add3A_482 = arith.addi %mul3A_2, %mul3A_481 : i32
      %dma_wait3A_483 = arith.constant 1 : i32
      %dma_wait3A_484 = arith.constant 0 : i32
      %dma_wait3A_485 = tpu.memref_slice %arg4[%dma_wait3A_483, %add3A_482, %dma_wait3A_484] : memref<4x4096x1024xf32, #tpu.memory_space<hbm>> -> memref<1x16x1024xf32, #tpu.memory_space<hbm>>
      %dma_wait3A_486 = tpu.memref_squeeze %dma_wait3A_485 : memref<1x16x1024xf32, #tpu.memory_space<hbm>> -> memref<16x1024xf32, #tpu.memory_space<hbm>>
      %dma_wait3A_487 = arith.constant 0 : i32
      %dma_wait3A_488 = tpu.memref_slice %arg4[%dma_wait3A_483, %add3A_482, %dma_wait3A_487] : memref<4x4096x1024xf32, #tpu.memory_space<hbm>> -> memref<1x16x1024xf32, #tpu.memory_space<hbm>>
      %dma_wait3A_489 = tpu.memref_squeeze %dma_wait3A_488 : memref<1x16x1024xf32, #tpu.memory_space<hbm>> -> memref<16x1024xf32, #tpu.memory_space<hbm>>
      tpu.wait_dma2 semaphore(%arg16 : memref<!tpu.dma_semaphore, #tpu.memory_space<semaphore_mem>>) src(%arg6 : memref<16x1024xf32, #tpu.memory_space<vmem>>) dst(%dma_wait3A_489 : memref<16x1024xf32, #tpu.memory_space<hbm>>)
      %lt3A_490 = arith.constant 24 : i32
      %lt3A_491 = arith.cmpi slt, %mul3A_52, %lt3A_490 : i32
      %convert_element_type3A_492 = arith.extui %lt3A_491 : i1 to i32
      %cond3A_493 = arith.constant 0 : i32
      %cond3A_494 = arith.cmpi ne, %convert_element_type3A_492, %cond3A_493 : i32
      scf.if %cond3A_494 {
        %add3A_511 = arith.constant 2 : i32
        %add3A_512 = arith.addi %add3A_461, %add3A_511 : i32
        %shift_right_arithmetic3A_513 = arith.constant 2 : i32
        %shift_right_arithmetic3A_514 = arith.shrsi %add3A_512, %shift_right_arithmetic3A_513 : i32
        %mul3A_515 = arith.constant 16 : i32
        %mul3A_516 = arith.muli %shift_right_arithmetic3A_514, %mul3A_515 : i32
        %add3A_517 = arith.addi %mul3A_2, %mul3A_516 : i32
        %dma_start3A_518 = arith.constant 1 : i32
        %dma_start3A_519 = arith.constant 0 : i32
        %dma_start3A_520 = tpu.memref_slice %arg2[%dma_start3A_518, %add3A_517, %dma_start3A_519] : memref<4x4096x1024xf32, #tpu.memory_space<hbm>> -> memref<1x16x1024xf32, #tpu.memory_space<hbm>>
        %dma_start3A_521 = tpu.memref_squeeze %dma_start3A_520 : memref<1x16x1024xf32, #tpu.memory_space<hbm>> -> memref<16x1024xf32, #tpu.memory_space<hbm>>
        %dma_start3A_522 = arith.constant 0 : i32
        %dma_start3A_523 = tpu.memref_slice %arg2[%dma_start3A_518, %add3A_517, %dma_start3A_522] : memref<4x4096x1024xf32, #tpu.memory_space<hbm>> -> memref<1x16x1024xf32, #tpu.memory_space<hbm>>
        %dma_start3A_524 = tpu.memref_squeeze %dma_start3A_523 : memref<1x16x1024xf32, #tpu.memory_space<hbm>> -> memref<16x1024xf32, #tpu.memory_space<hbm>>
        tpu.enqueue_dma source(%dma_start3A_524 : memref<16x1024xf32, #tpu.memory_space<hbm>>) target(%arg6 : memref<16x1024xf32, #tpu.memory_space<vmem>>) target_semaphore(%arg12 : memref<!tpu.dma_semaphore, #tpu.memory_space<semaphore_mem>>)
      } else {
      }
      %parallel_loop3A_495 = arith.constant 0 : i32
      %parallel_loop3A_496 = arith.constant 1024 : i32
      %parallel_loop3A_497 = arith.constant 1 : i32
      scf.for %parallel_loop3A_511 = %parallel_loop3A_495 to %parallel_loop3A_496 step %parallel_loop3A_497  : i32 {
        %parallel_loop3A_512 = arith.constant 6 : i32
        %parallel_loop3A_513 = arith.shrsi %parallel_loop3A_511, %parallel_loop3A_512 : i32
        %parallel_loop3A_514 = arith.constant 63 : i32
        %parallel_loop3A_515 = arith.andi %parallel_loop3A_511, %parallel_loop3A_514 : i32
        %parallel_loop3A_516 = arith.constant 16 : i32
        %parallel_loop3A_517 = arith.muli %parallel_loop3A_515, %parallel_loop3A_516 : i32
        %parallel_loop3A_518 = arith.index_cast %parallel_loop3A_513 : i32 to index
        %parallel_loop3A_519 = arith.index_cast %parallel_loop3A_517 : i32 to index
        %parallel_loop3A_520 = tpu.vector_load %arg8[%parallel_loop3A_518, %parallel_loop3A_519] {strides = array<i32>} : memref<16x1024xf32, #tpu.memory_space<vmem>>, vector<1x16xf32>,
        %parallel_loop3A_521 = vector.shape_cast %parallel_loop3A_520 : vector<1x16xf32> to vector<16xf32>
        %parallel_loop3A_522 = arith.index_cast %parallel_loop3A_513 : i32 to index
        %parallel_loop3A_523 = arith.index_cast %parallel_loop3A_517 : i32 to index
        %parallel_loop3A_524 = tpu.vector_load %arg10[%parallel_loop3A_522, %parallel_loop3A_523] {strides = array<i32>} : memref<16x1024xf32, #tpu.memory_space<vmem>>, vector<1x16xf32>,
        %parallel_loop3A_525 = vector.shape_cast %parallel_loop3A_524 : vector<1x16xf32> to vector<16xf32>
        %parallel_loop3A_526 = arith.addf %parallel_loop3A_521, %parallel_loop3A_525 : vector<16xf32>
        %parallel_loop3A_527 = arith.index_cast %parallel_loop3A_513 : i32 to index
        %parallel_loop3A_528 = arith.index_cast %parallel_loop3A_517 : i32 to index
        %parallel_loop3A_529 = tpu.vector_load %arg8[%parallel_loop3A_527, %parallel_loop3A_528] {strides = array<i32>} : memref<16x1024xf32, #tpu.memory_space<vmem>>, vector<1x16xf32>,
        %parallel_loop3A_530 = vector.shape_cast %parallel_loop3A_529 : vector<1x16xf32> to vector<16xf32>
        %parallel_loop3A_531 = vector.shape_cast %parallel_loop3A_526 : vector<16xf32> to vector<1x16xf32>
        tpu.vector_store %arg8[%parallel_loop3A_527, %parallel_loop3A_528], %parallel_loop3A_531 {strides = array<i32>} : memref<16x1024xf32, #tpu.memory_space<vmem>>, vector<1x16xf32>,
      } {sc.loop_unroll_factor = 16 : i64, sc.parallel_access}
      %shift_right_arithmetic3A_498 = arith.constant 2 : i32
      %shift_right_arithmetic3A_499 = arith.shrsi %add3A_461, %shift_right_arithmetic3A_498 : i32
      %mul3A_500 = arith.constant 16 : i32
      %mul3A_501 = arith.muli %shift_right_arithmetic3A_499, %mul3A_500 : i32
      %add3A_502 = arith.addi %mul3A_2, %mul3A_501 : i32
      %dma_start3A_503 = arith.constant 3 : i32
      %dma_start3A_504 = arith.constant 0 : i32
      %dma_start3A_505 = tpu.memref_slice %arg4[%dma_start3A_503, %add3A_502, %dma_start3A_504] : memref<4x4096x1024xf32, #tpu.memory_space<hbm>> -> memref<1x16x1024xf32, #tpu.memory_space<hbm>>
      %dma_start3A_506 = tpu.memref_squeeze %dma_start3A_505 : memref<1x16x1024xf32, #tpu.memory_space<hbm>> -> memref<16x1024xf32, #tpu.memory_space<hbm>>
      %dma_start3A_507 = arith.constant 0 : i32
      %dma_start3A_508 = tpu.memref_slice %arg4[%dma_start3A_503, %add3A_502, %dma_start3A_507] : memref<4x4096x1024xf32, #tpu.memory_space<hbm>> -> memref<1x16x1024xf32, #tpu.memory_space<hbm>>
      %dma_start3A_509 = tpu.memref_squeeze %dma_start3A_508 : memref<1x16x1024xf32, #tpu.memory_space<hbm>> -> memref<16x1024xf32, #tpu.memory_space<hbm>>
      tpu.enqueue_dma source(%arg8 : memref<16x1024xf32, #tpu.memory_space<vmem>>) target(%dma_start3A_509 : memref<16x1024xf32, #tpu.memory_space<hbm>>) target_semaphore(%arg18 : memref<!tpu.dma_semaphore, #tpu.memory_space<semaphore_mem>>)
      %scan3A_510 = arith.constant 0 : i32
      scf.yield %scan3A_510 : i32
    }
    %scan3A_31 = arith.constant 4 : i32
    %add3A_32 = arith.constant 112 : i32
    %add3A_33 = arith.addi %mul3A_2, %add3A_32 : i32
    %dma_wait3A = arith.constant 2 : i32
    %dma_wait3A_34 = arith.constant 0 : i32
    %dma_wait3A_35 = tpu.memref_slice %arg4[%dma_wait3A, %add3A_33, %dma_wait3A_34] : memref<4x4096x1024xf32, #tpu.memory_space<hbm>> -> memref<1x16x1024xf32, #tpu.memory_space<hbm>>
    %dma_wait3A_36 = tpu.memref_squeeze %dma_wait3A_35 : memref<1x16x1024xf32, #tpu.memory_space<hbm>> -> memref<16x1024xf32, #tpu.memory_space<hbm>>
    %dma_wait3A_37 = arith.constant 0 : i32
    %dma_wait3A_38 = tpu.memref_slice %arg4[%dma_wait3A, %add3A_33, %dma_wait3A_37] : memref<4x4096x1024xf32, #tpu.memory_space<hbm>> -> memref<1x16x1024xf32, #tpu.memory_space<hbm>>
    %dma_wait3A_39 = tpu.memref_squeeze %dma_wait3A_38 : memref<1x16x1024xf32, #tpu.memory_space<hbm>> -> memref<16x1024xf32, #tpu.memory_space<hbm>>
    tpu.wait_dma2 semaphore(%arg17 : memref<!tpu.dma_semaphore, #tpu.memory_space<semaphore_mem>>) src(%arg7 : memref<16x1024xf32, #tpu.memory_space<vmem>>) dst(%dma_wait3A_39 : memref<16x1024xf32, #tpu.memory_space<hbm>>)
    %add3A_40 = arith.constant 112 : i32
    %add3A_41 = arith.addi %mul3A_2, %add3A_40 : i32
    %dma_wait3A_42 = arith.constant 3 : i32
    %dma_wait3A_43 = arith.constant 0 : i32
    %dma_wait3A_44 = tpu.memref_slice %arg4[%dma_wait3A_42, %add3A_41, %dma_wait3A_43] : memref<4x4096x1024xf32, #tpu.memory_space<hbm>> -> memref<1x16x1024xf32, #tpu.memory_space<hbm>>
    %dma_wait3A_45 = tpu.memref_squeeze %dma_wait3A_44 : memref<1x16x1024xf32, #tpu.memory_space<hbm>> -> memref<16x1024xf32, #tpu.memory_space<hbm>>
    %dma_wait3A_46 = arith.constant 0 : i32
    %dma_wait3A_47 = tpu.memref_slice %arg4[%dma_wait3A_42, %add3A_41, %dma_wait3A_46] : memref<4x4096x1024xf32, #tpu.memory_space<hbm>> -> memref<1x16x1024xf32, #tpu.memory_space<hbm>>
    %dma_wait3A_48 = tpu.memref_squeeze %dma_wait3A_47 : memref<1x16x1024xf32, #tpu.memory_space<hbm>> -> memref<16x1024xf32, #tpu.memory_space<hbm>>
    tpu.wait_dma2 semaphore(%arg18 : memref<!tpu.dma_semaphore, #tpu.memory_space<semaphore_mem>>) src(%arg8 : memref<16x1024xf32, #tpu.memory_space<vmem>>) dst(%dma_wait3A_48 : memref<16x1024xf32, #tpu.memory_space<hbm>>)
    return
  }
}

</mosaic_0001>

<sc_bundles>
// kernel: kernel.3.cloned.1.call-start
scs
__scs_entry_jumppad:
0x0: {  	(pc) =	sbr.rel $0x88, $3  }
0x1: {  	(tag) =	ssettag $0x0;
	lr =	simm.s32 $0x1  }
0x2: {  	[smem:$0x3F9F] =	sst lr;
	_ =	strace $0xD0000000  }
0x3: {  	_ = 	snop  }
0x4: {  	_ = 	snop  }
0x5: {  	_ = 	snop  }
0x6: {  	_ = 	snop  }
0x7: {  	_ = 	snop  }
__scs_overlays_trampoline_lowered:
0x8: {  	[smem:$0x3FAE] =	sst s0  }
0x9: {  	[smem:$0x3FAF] =	sst s1  }
0xa: {  	[smem:$0x3FB0] =	sst s2  }
0xb: {  	[smem:$0x3FB1] =	sst s3  }
0xc: {  	[smem:$0x3FB2] =	sst s4  }
0xd: {  	[smem:$0x3FB3] =	sst s5  }
0xe: {  	[smem:$0x3FB4] =	sst s6  }
0xf: {  	[smem:$0x3FB5] =	sst s7  }
0x10: {  	[smem:$0x3FB6] =	sst s8  }
0x11: {  	[smem:$0x3FB7] =	sst s9;
	s0 =	simm.s32 @!p0 $0x0  }
0x12: {  	s1 =	sld [smem:$0x3F9D];
	s0 =	simm.s32 @p0 $0x1  }
0x13: {  	[smem:$0x3FB8] =	sst s0;
	s0 =	simm.s32 @!p1 $0x0  }
0x14: {  	s2 =	sld [smem:$0x3F9C];
	s0 =	simm.s32 @p1 $0x1  }
0x15: {  	[smem:$0x3FB9] =	sst s0;
	s0 =	simm.s32 @!p2 $0x0  }
0x16: {  	s3 =	sld [smem:$0x3FDB];
	s0 =	simm.s32 @p2 $0x1  }
0x17: {  	s4 =	simm.s32 $0x1BF5;
	[smem:$0x3FBB] =	sst s0  }
0x18: {  	s0 =	sld [smem:$0x3F9E];
	_ =	swait.ge [sflag:s4], $0x0  }
0x19: {  	s7 =	sld [smem:$0x3F9F]  }
0x1a: {  	s8 =	sadd.s32 $0xFFFFE003, lr  }
0x1b: {  	s9 =	sadd.s32 $0xFFFFFEF7, lr;
	s5 =	simm.s32 $0xFFFFFFFF;
	p2 =	slt.u32 s8, $0xFFFFF086  }
0x1c: {  	p1 =	slt.u32 s9, $0xF7A;
	s5 =	simm.s32 @!p2 $0x0  }
0x1d: {  	s5 =	simm.s32 @p1 $0x1;
	p0 =	seq.s32 s7, s2  }
0x1e: {  	s7 =	smul.u32 @!p0 $0xF7A, s2;
	p2 =	seq.s32 @!p0 s5, $0x0  }
0x1f: {  	s9 =	smul.u32 $0xF7A, s1;
	s8 =	simm.s32 @!p0 $0x1BF5;
	p2 =	por !p2, p0  }
0x20: {  	[sflag:s8] =	ssyncset.s32 @!p0 $0xFFFFF086;
	s6 =	sadd.s32 @!p0 s3, s7;
	s7 =	simm.s32 @!p0 $0x108  }
0x21: {  	s3 =	sadd.s32 s3, s9;
	s6 =	sadd.s32 @!p0 $0x88, s6;
	s7 =	simm.s32 @p2 $0x1082  }
0x22: {  	[simem:s7], [sflag:s8] =	dma.local @!p0 [hbm:s6], $0xF7A  }
0x23: {  	s9 =	sor.u32 $0xD0000000, s2;
	s6 =	simm.s32 $0x108;
	_ =	swait.ge @!p0 [sflag:s8], $0x0  }
0x24: {  	s3 =	sadd.s32 $0x88, s3;
	s6 =	simm.s32 @!p1 $0x1082;
	[sflag:s4] =	ssyncset.s32 $0xFFFFF086  }
0x25: {  	[simem:s6], [sflag:s4] =	dma.local [hbm:s3], $0xF7A  }
0x26: {  	[smem:$0x3F9F] =	sst s1;
	(tag) =	ssettag s2;
	_ =	strace s9  }
0x27: {  	s1 =	sld [smem:$0x3FAF]  }
0x28: {  	s2 =	sld [smem:$0x3FB0]  }
0x29: {  	s4 =	sld [smem:$0x3FB2]  }
0x2a: {  	p0 =	seq.s32 s5, $0x0;
	s5 =	sld [smem:$0x3FB3]  }
0x2b: {  	s6 =	sld [smem:$0x3FB4]  }
0x2c: {  	s7 =	sld [smem:$0x3FB5]  }
0x2d: {  	s3 =	simm.s32 $0x108;
	s8 =	sld [smem:$0x3FB6]  }
0x2e: {  	s3 =	simm.s32 @!p0 $0x1082;
	s9 =	sld [smem:$0x3FB7]  }
0x2f: {  	lr =	sadd.s32 s0, s3;
	s0 =	sld [smem:$0x3FAE]  }
0x30: {  	s3 =	sld [smem:$0x3FB1]  }
0x31: {  	[smem:$0x3FBA] =	sst s10  }
0x32: {  	s10 =	sld [smem:$0x3FB8];
	_ =	sdelay $0x3  }
0x33: {  	p0 =	seq.s32 s10, $0x1;
	s10 =	sld [smem:$0x3FBA];
	_ =	sdelay $0x3  }
0x34: {  	[smem:$0x3FBA] =	sst s10  }
0x35: {  	s10 =	sld [smem:$0x3FB9];
	_ =	sdelay $0x3  }
0x36: {  	p1 =	seq.s32 s10, $0x1;
	s10 =	sld [smem:$0x3FBA];
	_ =	sdelay $0x3  }
0x37: {  	[smem:$0x3FBA] =	sst s10  }
0x38: {  	s10 =	sld [smem:$0x3FBB]  }
0x39: {  	_ = 	snop;
	(pc) =	sbr.ind lr, $3  }
0x3a: {  	_ = 	snop  }
0x3b: {  	_ = 	snop  }
0x3c: {  	p2 =	seq.s32 s10, $0x1;
	s10 =	sld [smem:$0x3FBA]  }
0x3d: {  	_ =	shalt  }
0x3e: {  	_ =	shalt  }
0x3f: {  	_ =	shalt  }
0x40: {  	_ =	shalt  }
0x41: {  	_ =	shalt  }
0x42: {  	_ =	shalt  }
0x43: {  	_ =	shalt  }
0x44: {  	_ =	shalt  }
0x45: {  	_ =	shalt  }
0x46: {  	_ =	shalt  }
0x47: {  	_ =	shalt  }
0x48: {  	_ =	shalt  }
0x49: {  	_ =	shalt  }
0x4a: {  	_ =	shalt  }
0x4b: {  	_ =	shalt  }
0x4c: {  	_ =	shalt  }
0x4d: {  	_ =	shalt  }
0x4e: {  	_ =	shalt  }
0x4f: {  	_ =	shalt  }
0x50: {  	_ =	shalt  }
0x51: {  	_ =	shalt  }
0x52: {  	_ =	shalt  }
0x53: {  	_ =	shalt  }
0x54: {  	_ =	shalt  }
0x55: {  	_ =	shalt  }
0x56: {  	_ =	shalt  }
0x57: {  	_ =	shalt  }
0x58: {  	_ =	shalt  }
0x59: {  	_ =	shalt  }
0x5a: {  	_ =	shalt  }
0x5b: {  	_ =	shalt  }
0x5c: {  	_ =	shalt  }
0x5d: {  	_ =	shalt  }
0x5e: {  	_ =	shalt  }
0x5f: {  	_ =	shalt  }
0x60: {  	_ =	shalt  }
0x61: {  	_ =	shalt  }
0x62: {  	_ =	shalt  }
0x63: {  	_ =	shalt  }
0x64: {  	_ =	shalt  }
0x65: {  	_ =	shalt  }
0x66: {  	_ =	shalt  }
0x67: {  	_ =	shalt  }
0x68: {  	_ =	shalt  }
0x69: {  	_ =	shalt  }
0x6a: {  	_ =	shalt  }
0x6b: {  	_ =	shalt  }
0x6c: {  	_ =	shalt  }
0x6d: {  	_ =	shalt  }
0x6e: {  	_ =	shalt  }
0x6f: {  	_ =	shalt  }
0x70: {  	_ =	shalt  }
0x71: {  	_ =	shalt  }
0x72: {  	_ =	shalt  }
0x73: {  	_ =	shalt  }
0x74: {  	_ =	shalt  }
0x75: {  	_ =	shalt  }
0x76: {  	_ =	shalt  }
0x77: {  	_ =	shalt  }
0x78: {  	_ =	shalt  }
0x79: {  	_ =	shalt  }
0x7a: {  	_ =	shalt  }
0x7b: {  	_ =	shalt  }
0x7c: {  	_ =	shalt  }
0x7d: {  	_ =	shalt  }
0x7e: {  	_ =	shalt  }
0x7f: {  	_ =	shalt  }
0x80: {  	_ =	shalt  }
0x81: {  	_ =	shalt  }
0x82: {  	_ =	shalt  }
0x83: {  	_ =	shalt  }
0x84: {  	_ =	shalt  }
0x85: {  	_ =	shalt  }
0x86: {  	_ =	shalt  }
0x87: {  	_ =	shalt  }
.Lfunc_end0:
.L_simem_size_0:
called_computation_lowered:
.L_overlay_start_0:
0x88: {  	s2 =	sld [smem:$0x3FD9]  }
0x89: {  	s3 =	sld [smem:$0x3FFE];
	_ =	sdelay $0x1  }
0x8a: {  	s1 =	srdreg.scid  }
0x8b: {  	s0 =	sand.u32 $0x1, s1  }
0x8c: {  	s18 =	sshll.u32 s0, $0xA;
	s2 =	sadd.s32 s3, s2  }
0x8d: {  	s2 =	sadd.s32 s2, s18  }
0x8e: {  	[smem:$0x3FC6] =	sst s2  }
0x8f: {  	_ = 	snop  }
0x90: {  	s2 =	sld [smem:$0x3FC9]  }
0x91: {  	s19 =	sld [smem:$0x3FC8]  }
0x92: {  	s4 =	sld [smem:$0x3FD0];
	(tm) =	ssettm $0x1  }
0x93: {  	s5 =	sld [smem:$0x3FFB];
	_ =	sdelay $0x3  }
0x94: {  	_ =	strace s5  }
0x95: {  	s5 =	sld [smem:$0x3FFC];
	_ =	sdelay $0x3  }
0x96: {  	_ =	strace s5  }
0x97: {  	s5 =	sld [smem:$0x3FFD];
	_ =	sdelay $0x3  }
0x98: {  	_ =	strace s5  }
0x99: {  	_ =	strace $0x8FFFFFFF  }
0x9a: {  	s20 =	sld [smem:$0x3FDB];
	_ =	sdelay $0x1  }
0x9b: {  	s6 =	simm.s32 $_scs_section_size  }
0x9c: {  	s7 =	simm.s32 $_size__tile_overlayer_lowered;
	s8 =	simm.s32 $_tile_overlayer_lowered  }
0x9d: {  	s23 =	simm.s32 $0x1BFF;
	s22 =	sshll.u32 s8, $0x1;
	s5 =	sadd.s32 s6, s20  }
0x9e: {  	s9 =	simm.s32 $0x0;
	s21 =	sshll.u32 s7, $0x1;
	s7 =	sadd.s32 s22, s5  }
0x9f: {  	[timem:s9], [sflag:s23] =	dma.local [hbm:s7], s21  }
0xa0: {  	_ =	swait.ge [sflag:s23], s21  }
0xa1: {  	s6 =	ssub.s32 $0x0, s21;
	[sflag:s23] =	ssyncset.done $0x0  }
0xa2: {  	[sflag:s23] =	ssyncadd.s32 s6;
	_ =	sdelay $0x1  }
0xa3: {  	s24 =	simm.s32 $0x1B8B  }
0xa4: {  	_ =	swait.ge [sflag:s24], $0x1  }
0xa5: {  	[sflag:s24] =	ssyncset.done $0x0  }
0xa6: {  	s25 =	simm.s32 $0x1B8E;
	[sflag:s24] =	ssyncadd.s32 $0xFFFFFFFF  }
0xa7: {  	s26 =	simm.s32 $execute0_lowered;
	[smem:$0x3FD2] =	sst s25  }
0xa8: {  	s6 =	sshll.u32 s26, $0x1;
	_ =	strace $0x80000046;
	[dreg:$0x1] =	wrdreg $0xFFFFFFFF  }
0xa9: {  	s28 =	simm.s32 $_size_execute0_lowered;
	s5 =	sadd.s32 s5, s6;
	[dreg:$0x0] =	wrdreg $0x0  }
0xaa: {  	s6 =	sshll.u32 s28, $0x1;
	[dreg:$0x2] =	wrdreg s5  }
0xab: {  	[dreg:$0x3] =	wrdreg s6  }
0xac: {  	[dreg:$0x4] =	wrdreg $0xC0  }
0xad: {  	_ =	task [dreg:s9], $0x5FFFF  }
0xae: {  	[dreg:$0x1] =	wrdreg $0xFFFFFFFF  }
0xaf: {  	[dreg:$0x0] =	wrdreg $0x60  }
0xb0: {  	[dreg:$0x2] =	wrdreg s2  }
0xb1: {  	[dreg:$0x3] =	wrdreg s19  }
0xb2: {  	[dreg:$0x4] =	wrdreg s4  }
0xb3: {  	[dreg:$0x5] =	wrdreg $0x9  }
0xb4: {  	_ =	task.clear_ibuf [dreg:s9], $0x6FFFF;
	_ =	strace $0x90000046  }
0xb5: {  	s29 =	simm.s32 $0x9;
	_ =	strace $0x80000048  }
0xb6: {  	_ =	swait.ge [sflag:s29], $0x1  }
0xb7: {  	[sflag:s29] =	ssyncadd.s32 $0xFFFFFFFF  }
0xb8: {  	_ =	strace $0x90000048  }
0xb9: {  	_ =	sfence  }
0xba: {  	s30 =	sld [smem:$0x0];
	_ =	sdelay $0x2  }
0xbb: {  	s31 =	sshll.u32 s1, $0xD;
	s1 =	sshrl.u32 s1, $0x2  }
0xbc: {  	s3 =	sand.u32 $0x4000, s31;
	s1 =	sadd.s32 s1, s30  }
0xbd: {  	s0 =	sor.u32 s3, s0;
	s1 =	sshll.u32 s1, $0x11  }
0xbe: {  	s0 =	sor.u32 s1, s0  }
0xbf: {  	s0 =	sadd.s32 $0x8F2B, s0  }
0xc0: {  	[sflag:s0] =	ssyncadd.remote.s32 $0x1  }
0xc1: {  	_ =	sfence.sel $0xFFFF  }
0xc2: {  	[dreg:$0x0] =	wrdreg $0xFFFFFFFF;
	(pc) =	sbr.abs _section_cstart, $3  }
0xc3: {  	[dreg:$0x1] =	wrdreg $0xFFFFFFFF  }
0xc4: {  	_ =	task.clear_ibuf [dreg:s9], $0x2FFFF;
	_ =	strace $0x9FFFFFFF  }
0xc5: {  	(tm) =	ssettm $0x7FFFFFFF  }
tec
execute0_lowered:
.L_overlay_start_1:
0x0: {  	(tag) =	ssettag $0x1  }
0x1: {  	s1 =	rddreg [dreg:$0x0]  }
0x2: {  	s31 =	rddreg [dreg:$0x1]  }
0x3: {  	s4 =	rddreg [dreg:$0x2];
	s0 =	srdreg.scid  }
0x4: {  	s2 =	stileid.u32;
	s5 =	simm.s32 $0x0;
	s16 =	simm.s32 $0x4000  }
0x5: {  	s17 =	simm.s32 $0x9;
	s18 =	simm.s32 $0x1;
	s19 =	simm.s32 $0x8000  }
0x6: {  	s21 =	simm.s32 $0x2;
	s28 =	simm.s32 $0xA;
	s29 =	simm.s32 $0x7  }
0x7: {  	s30 =	simm.s32 $0x8;
	s0 =	sand.u32 $0x1, s0;
	s2 =	sshll.u32 s2, $0x8  }
0x8: {  	[smem:$0x7FF] =	sst s5;
	s24 =	sadd.s32 $0x80000, s1;
	s25 =	sadd.s32 $0x80000, s4  }
0x9: {  	s3 =	sshll.u32 s0, $0x7;
	_ =	strace $0x80000047;
	[dreg:$0x6] =	wrdreg s24  }
0xa: {  	s0 =	ssub.s32 $0x2, s0;
	[dreg:$0x9] =	wrdreg s25;
	s3 =	sor.u32 s3, s2  }
0xb: {  	s25 =	simm.s32 $0x4;
	s22 =	sshrl.u32 s0, $0x1;
	s6 =	sshll.u32 s3, $0x7  }
0xc: {  	s0 =	ssub.s32 s0, s22;
	s26 =	sor.u32 $0x20, s3;
	[dreg:$0x4] =	wrdreg s6  }
0xd: {  	s13 =	smov.u32 s3;
	s23 =	sadd.s32 s31, s6;
	[dreg:$0xa] =	wrdreg s26  }
0xe: {  	s22 =	simm.s32 $0xC000;
	s7 =	sadd.s32 s1, s6;
	[dreg:$0x5] =	wrdreg s23  }
0xf: {  	s2 =	sadd.s32 s6, s24;
	s0 =	smax.u32 s0, $0x1;
	[dreg:$0x7] =	wrdreg s7  }
0x10: {  	s24 =	simm.s32 $0x5;
	s26 =	simm.s32 $0x6;
	[dreg:$0x8] =	wrdreg s2  }
0x11: {  	[dreg:$0xb] =	wrdreg s0;
	s23 =	simm.s32 $0x3;
	s2 =	simm.s32 $0x0  }
.LBB2_1:
0x12: {  	[dreg:$0xc] =	wrdreg s2  }
0x13: {  	s0 =	rddreg [dreg:$0x5];
	s14 =	simm.s32 $0x10000  }
0x14: {  	[tilespmem:s14], [sflag:$0x9] =	stream.linear.gather [hbm4b:s0+s5], $0x4000, $0x38;
	[tilespmem:$0x18000] =	vst v63  }
0x15: {  	s15 =	rddreg [dreg:$0x7]  }
0x16: {  	[tilespmem:s5], [sflag:$0x1] =	stream.linear.gather [hbm4b:s15+s5], $0x4000, $0x38;
	[tilespmem:$0x18000] =	vst v63  }
0x17: {  	s20 =	rddreg [dreg:$0x8];
	s0 =	simm.s32 $0x0  }
0x18: {  	[tilespmem:s16], [sflag:$0x2] =	stream.linear.gather [hbm4b:s20+s5], $0x4000, $0x38;
	[tilespmem:$0x18000] =	vst v63  }
.LBB2_2:
0x19: {  	_ =	swait.ge [sflag:s17], $0x4000  }
0x1a: {  	[sflag:s17] =	ssyncset.done $0x0  }
0x1b: {  	[sflag:s17] =	ssyncadd.s32 $0xFFFFC000  }
0x1c: {  	_ =	swait.ge [sflag:s18], $0x4000  }
0x1d: {  	p0 =	seq.s32 s0, $0x0;
	[sflag:s18] =	ssyncset.done $0x0  }
0x1e: {  	s2 =	simm.s32 @!p0 $0x7;
	[sflag:s18] =	ssyncadd.s32 $0xFFFFC000  }
0x1f: {  	s3 =	sshll.u32 s0, $0xC;
	_ =	swait.ge @!p0 [sflag:s2], $0x4000  }
0x20: {  	s8 =	simm.s32 $0x0;
	s14 =	simm.s32 $0x0;
	s6 =	rddreg [dreg:$0x4]  }
0x21: {  	s15 =	sand.u32 $0x1800, s8;
	[sflag:s2] =	ssyncset.done @!p0 $0x0;
	s10 =	sadd.s32 s6, s3  }
0x22: {  	[sflag:s2] =	ssyncadd.s32 @!p0 $0xFFFFC000;
	s2 =	sand.u32 $0x2000, s14;
	s14 =	simm.s32 $0x0  }
0x23: {  	s11 =	sor.u32 $0x100000, s10;
	s2 =	sor.u32 s15, s2;
	s20 =	sand.u32 $0x380, s14  }
0x24: {  	s12 =	sadd.s32 s1, s11;
	s2 =	sor.u32 s20, s2  }
0x25: {  	[tilespmem:s19], [sflag:$0x3] =	stream.linear.gather [hbm4b:s12+s8], $0x4000, $0x38;
	[tilespmem:$0x18000] =	vst v63  }
0x26: {  	v0 =	vld [tilespmem:s2+$0x470]  }
0x27: {  	v1 =	vld [tilespmem:s2+$0x10470]  }
0x28: {  	v2 =	vld [tilespmem:s2+$0x0]  }
0x29: {  	v3 =	vld [tilespmem:s2+$0x10000]  }
0x2a: {  	v4 =	vld [tilespmem:s2+$0x10]  }
0x2b: {  	v5 =	vld [tilespmem:s2+$0x10010]  }
0x2c: {  	v6 =	vld [tilespmem:s2+$0x20]  }
0x2d: {  	v7 =	vld [tilespmem:s2+$0x10020]  }
0x2e: {  	v8 =	vld [tilespmem:s2+$0x30]  }
0x2f: {  	v9 =	vld [tilespmem:s2+$0x10030]  }
0x30: {  	v10 =	vld [tilespmem:s2+$0x40]  }
0x31: {  	v11 =	vld [tilespmem:s2+$0x10040]  }
0x32: {  	v12 =	vld [tilespmem:s2+$0x50]  }
0x33: {  	v13 =	vld [tilespmem:s2+$0x10050]  }
0x34: {  	v14 =	vld [tilespmem:s2+$0x60]  }
0x35: {  	v0 =	vadd.f32 v1, v0;
	v1 =	vld [tilespmem:s2+$0x10060]  }
0x36: {  	v2 =	vadd.f32 v3, v2;
	v3 =	vld [tilespmem:s2+$0x70]  }
0x37: {  	[tilespmem:s2+$0x470] =	vst v0;
	v0 =	vadd.f32 v5, v4;
	v4 =	vld [tilespmem:s2+$0x10070]  }
0x38: {  	[tilespmem:s2+$0x0] =	vst v2;
	v2 =	vadd.f32 v7, v6;
	v5 =	vld [tilespmem:s2+$0x400]  }
0x39: {  	v6 =	vld [tilespmem:s2+$0x10400];
	[tilespmem:s2+$0x10] =	vst v0;
	v0 =	vadd.f32 v9, v8  }
0x3a: {  	v63 =	vld [tilespmem:s2+$0x10410];
	[tilespmem:s2+$0x20] =	vst v2;
	v2 =	vadd.f32 v11, v10  }
0x3b: {  	v7 =	vld [tilespmem:s2+$0x410];
	[tilespmem:s2+$0x30] =	vst v0;
	v0 =	vadd.f32 v13, v12  }
0x3c: {  	[tilespmem:s2+$0x40] =	vst v2;
	v2 =	vadd.f32 v1, v14;
	v1 =	vld [tilespmem:s2+$0x420]  }
0x3d: {  	v3 =	vadd.f32 v4, v3;
	v4 =	vld [tilespmem:s2+$0x10420];
	[tilespmem:s2+$0x50] =	vst v0  }
0x3e: {  	[tilespmem:s2+$0x60] =	vst v2;
	v2 =	vadd.f32 v6, v5;
	v0 =	vld [tilespmem:s2+$0x430]  }
0x3f: {  	[tilespmem:s2+$0x70] =	vst v3;
	v3 =	vld [tilespmem:s2+$0x10430]  }
0x40: {  	s14 =	simm.s32 $0x0;
	v5 =	vadd.f32 v63, v7;
	[tilespmem:s2+$0x400] =	vst v2;
	v2 =	vld [tilespmem:s2+$0x440]  }
.LBB2_3:
0x41: {  	s14 =	sadd.s32 $0x10, s14;
	v6 =	vld [tilespmem:s2+$0x10440]  }
0x42: {  	s8 =	sadd.s32 $0x800, s8;
	s3 =	sshll.u32 s14, $0x4;
	p1 =	slt.u32 s14, $0x3F0;
	[tilespmem:s2+$0x410] =	vst v5;
	v1 =	vadd.f32 v4, v1;
	v4 =	vld [tilespmem:s2+$0x450]  }
0x43: {  	s15 =	sand.u32 $0x1800, s8;
	s20 =	sshll.u32 s14, $0x1;
	s3 =	sand.u32 $0x2000, s3;
	v5 =	vld [tilespmem:s2+$0x10450]  }
0x44: {  	s3 =	sor.u32 s15, s3;
	s15 =	sand.u32 $0x380, s20;
	[tilespmem:s2+$0x420] =	vst v1;
	v0 =	vadd.f32 v3, v0;
	v1 =	vld [tilespmem:s2+$0x460]  }
0x45: {  	s3 =	sor.u32 s15, s3;
	v3 =	vld [tilespmem:s2+$0x10460]  }
0x46: {  	v7 =	vld [tilespmem:s3+$0x470];
	[tilespmem:s2+$0x430] =	vst v0;
	v0 =	vadd.f32 v6, v2  }
0x47: {  	v2 =	vld [tilespmem:s3+$0x10470]  }
0x48: {  	v6 =	vld [tilespmem:s3+$0x0];
	[tilespmem:s2+$0x440] =	vst v0;
	v0 =	vadd.f32 v5, v4  }
0x49: {  	v4 =	vld [tilespmem:s3+$0x10000]  }
0x4a: {  	v5 =	vld [tilespmem:s3+$0x10];
	[tilespmem:s2+$0x450] =	vst v0;
	v0 =	vadd.f32 v3, v1  }
0x4b: {  	v1 =	vld [tilespmem:s3+$0x10010]  }
0x4c: {  	v3 =	vld [tilespmem:s3+$0x20];
	v2 =	vadd.f32 v2, v7;
	[tilespmem:s2+$0x460] =	vst v0;
	s2 =	smov.u32 s3  }
0x4d: {  	v0 =	vld [tilespmem:s2+$0x10020]  }
0x4e: {  	v4 =	vadd.f32 v4, v6;
	v6 =	vld [tilespmem:s2+$0x30];
	[tilespmem:s2+$0x470] =	vst v2  }
0x4f: {  	v2 =	vld [tilespmem:s2+$0x10030]  }
0x50: {  	[tilespmem:s2+$0x0] =	vst v4;
	v1 =	vadd.f32 v1, v5;
	v4 =	vld [tilespmem:s2+$0x40]  }
0x51: {  	v5 =	vld [tilespmem:s2+$0x10040]  }
0x52: {  	[tilespmem:s2+$0x10] =	vst v1;
	v0 =	vadd.f32 v0, v3;
	v1 =	vld [tilespmem:s2+$0x50]  }
0x53: {  	v3 =	vld [tilespmem:s2+$0x10050]  }
0x54: {  	[tilespmem:s2+$0x20] =	vst v0;
	v0 =	vadd.f32 v2, v6;
	v2 =	vld [tilespmem:s2+$0x60]  }
0x55: {  	v6 =	vld [tilespmem:s2+$0x10060]  }
0x56: {  	[tilespmem:s2+$0x30] =	vst v0;
	v0 =	vadd.f32 v5, v4;
	v4 =	vld [tilespmem:s2+$0x70]  }
0x57: {  	v5 =	vld [tilespmem:s2+$0x10070]  }
0x58: {  	[tilespmem:s2+$0x40] =	vst v0;
	v0 =	vadd.f32 v3, v1;
	v3 =	vld [tilespmem:s2+$0x400]  }
0x59: {  	v7 =	vld [tilespmem:s2+$0x10400]  }
0x5a: {  	[tilespmem:s2+$0x50] =	vst v0;
	v0 =	vadd.f32 v6, v2;
	v2 =	vld [tilespmem:s2+$0x410]  }
0x5b: {  	v6 =	vld [tilespmem:s2+$0x10410]  }
.Ltmp0:
0x5c: {  	[tilespmem:s2+$0x60] =	vst v0;
	v0 =	vadd.f32 v5, v4;
	v1 =	vld [tilespmem:s2+$0x420];
	(pc) =	sbr.rel @p1 .LBB2_3-.Ltmp0, $4  }
0x5d: {  	v4 =	vld [tilespmem:s2+$0x10420]  }
0x5e: {  	[tilespmem:s2+$0x70] =	vst v0;
	v5 =	vadd.f32 v7, v3;
	v0 =	vld [tilespmem:s2+$0x430]  }
0x5f: {  	v3 =	vld [tilespmem:s2+$0x10430]  }
0x60: {  	[tilespmem:s2+$0x400] =	vst v5;
	v5 =	vadd.f32 v6, v2;
	v2 =	vld [tilespmem:s2+$0x440]  }
0x61: {  	v6 =	vld [tilespmem:s2+$0x10440]  }
0x62: {  	v7 =	vld [tilespmem:s2+$0x450]  }
0x63: {  	v8 =	vld [tilespmem:s2+$0x10450]  }
0x64: {  	v9 =	vld [tilespmem:s2+$0x460]  }
0x65: {  	v10 =	vld [tilespmem:s2+$0x10460]  }
0x66: {  	v1 =	vadd.f32 v4, v1  }
0x67: {  	[tilespmem:s2+$0x410] =	vst v5;
	v0 =	vadd.f32 v3, v0  }
0x68: {  	[tilespmem:s2+$0x420] =	vst v1;
	v1 =	vadd.f32 v6, v2  }
0x69: {  	[tilespmem:s2+$0x430] =	vst v0;
	v0 =	vadd.f32 v8, v7  }
0x6a: {  	s15 =	sshll.u32 s0, $0x5;
	[tilespmem:s2+$0x440] =	vst v1;
	v1 =	vadd.f32 v10, v9  }
0x6b: {  	s3 =	sor.u32 s15, s13;
	[tilespmem:s2+$0x450] =	vst v0  }
0x6c: {  	s20 =	sadd.s32 s4, s10;
	[tilespmem:s2+$0x460] =	vst v1;
	s2 =	sshll.u32 s3, $0x7  }
0x6d: {  	[hbm4b:s20+s5] =	stream.linear.scatter [tilespmem:s5], [sflag:$0x5], $0x4000, $0x38;
	[tilespmem:$0x18000] =	vst v63  }
0x6e: {  	s8 =	sor.u32 $0x800, s2  }
0x6f: {  	s6 =	simm.s32 $0x14000;
	s3 =	sadd.s32 s31, s8  }
0x70: {  	[tilespmem:s6], [sflag:$0xA] =	stream.linear.gather [hbm4b:s3+s5], $0x4000, $0x38;
	[tilespmem:$0x18000] =	vst v63  }
0x71: {  	_ =	swait.ge [sflag:s21], $0x4000  }
0x72: {  	s12 =	smov.u32 s31;
	[sflag:s21] =	ssyncset.done $0x0  }
0x73: {  	s14 =	sor.u32 $0x180000, s10;
	s3 =	simm.s32 @!p0 $0x8;
	[sflag:s21] =	ssyncadd.s32 $0xFFFFC000  }
0x74: {  	s7 =	simm.s32 $0x0;
	s20 =	simm.s32 $0x0;
	_ =	swait.ge @!p0 [sflag:s3], $0x4000  }
0x75: {  	s9 =	simm.s32 $0x0;
	s31 =	sand.u32 $0x1800, s20;
	[sflag:s3] =	ssyncset.done @!p0 $0x0  }
0x76: {  	s6 =	sadd.s32 s1, s14;
	[sflag:s3] =	ssyncadd.s32 @!p0 $0xFFFFC000;
	s3 =	sand.u32 $0x2000, s7  }
0x77: {  	[tilespmem:s22], [sflag:$0x4] =	stream.linear.gather [hbm4b:s6+s20], $0x4000, $0x38;
	[tilespmem:$0x18000] =	vst v63  }
0x78: {  	s3 =	sor.u32 s31, s3;
	s6 =	sand.u32 $0x380, s9  }
0x79: {  	s31 =	sor.u32 s6, s3  }
0x7a: {  	v0 =	vld [tilespmem:s31+$0x4470]  }
0x7b: {  	v1 =	vld [tilespmem:s31+$0x10470]  }
0x7c: {  	v2 =	vld [tilespmem:s31+$0x4000]  }
0x7d: {  	v3 =	vld [tilespmem:s31+$0x10000]  }
0x7e: {  	v4 =	vld [tilespmem:s31+$0x4010]  }
0x7f: {  	v5 =	vld [tilespmem:s31+$0x10010]  }
0x80: {  	v6 =	vld [tilespmem:s31+$0x4020]  }
0x81: {  	v7 =	vld [tilespmem:s31+$0x10020]  }
0x82: {  	v60 =	vld [tilespmem:s31+$0x4030]  }
0x83: {  	v61 =	vld [tilespmem:s31+$0x10030]  }
0x84: {  	v62 =	vld [tilespmem:s31+$0x4040]  }
0x85: {  	v11 =	vld [tilespmem:s31+$0x10040]  }
0x86: {  	v12 =	vld [tilespmem:s31+$0x4050]  }
0x87: {  	v13 =	vld [tilespmem:s31+$0x10050]  }
0x88: {  	v14 =	vld [tilespmem:s31+$0x4060]  }
0x89: {  	v0 =	vadd.f32 v1, v0;
	v1 =	vld [tilespmem:s31+$0x10060]  }
0x8a: {  	v2 =	vadd.f32 v3, v2;
	v3 =	vld [tilespmem:s31+$0x4070]  }
0x8b: {  	[tilespmem:s31+$0x4470] =	vst v0;
	v0 =	vadd.f32 v5, v4;
	v4 =	vld [tilespmem:s31+$0x10070]  }
0x8c: {  	[tilespmem:s31+$0x4000] =	vst v2;
	v2 =	vadd.f32 v7, v6;
	v5 =	vld [tilespmem:s31+$0x4400]  }
0x8d: {  	v6 =	vld [tilespmem:s31+$0x10400];
	[tilespmem:s31+$0x4010] =	vst v0;
	v0 =	vadd.f32 v61, v60  }
0x8e: {  	v63 =	vld [tilespmem:s31+$0x10410];
	[tilespmem:s31+$0x4020] =	vst v2;
	v2 =	vadd.f32 v11, v62  }
0x8f: {  	v7 =	vld [tilespmem:s31+$0x4410];
	[tilespmem:s31+$0x4030] =	vst v0;
	v0 =	vadd.f32 v13, v12  }
0x90: {  	[tilespmem:s31+$0x4040] =	vst v2;
	v2 =	vadd.f32 v1, v14;
	v1 =	vld [tilespmem:s31+$0x4420]  }
0x91: {  	v3 =	vadd.f32 v4, v3;
	v4 =	vld [tilespmem:s31+$0x10420];
	[tilespmem:s31+$0x4050] =	vst v0  }
0x92: {  	[tilespmem:s31+$0x4060] =	vst v2;
	v2 =	vadd.f32 v6, v5;
	v0 =	vld [tilespmem:s31+$0x4430]  }
0x93: {  	[tilespmem:s31+$0x4070] =	vst v3;
	v3 =	vld [tilespmem:s31+$0x10430]  }
0x94: {  	s3 =	simm.s32 $0x0;
	v5 =	vadd.f32 v63, v7;
	[tilespmem:s31+$0x4400] =	vst v2;
	v2 =	vld [tilespmem:s31+$0x4440]  }
.LBB2_5:
0x95: {  	s3 =	sadd.s32 $0x10, s3;
	v6 =	vld [tilespmem:s31+$0x10440]  }
0x96: {  	s20 =	sadd.s32 $0x800, s20;
	s6 =	sshll.u32 s3, $0x4;
	p0 =	slt.u32 s3, $0x3F0;
	[tilespmem:s31+$0x4410] =	vst v5;
	v1 =	vadd.f32 v4, v1;
	v4 =	vld [tilespmem:s31+$0x4450]  }
0x97: {  	s9 =	sand.u32 $0x1800, s20;
	s7 =	sshll.u32 s3, $0x1;
	s6 =	sand.u32 $0x2000, s6;
	v5 =	vld [tilespmem:s31+$0x10450]  }
0x98: {  	s7 =	sand.u32 $0x380, s7;
	s6 =	sor.u32 s9, s6;
	[tilespmem:s31+$0x4420] =	vst v1;
	v0 =	vadd.f32 v3, v0;
	v1 =	vld [tilespmem:s31+$0x4460]  }
0x99: {  	s6 =	sor.u32 s7, s6;
	v3 =	vld [tilespmem:s31+$0x10460]  }
0x9a: {  	v7 =	vld [tilespmem:s6+$0x4470];
	[tilespmem:s31+$0x4430] =	vst v0;
	v0 =	vadd.f32 v6, v2  }
0x9b: {  	v2 =	vld [tilespmem:s6+$0x10470]  }
0x9c: {  	v6 =	vld [tilespmem:s6+$0x4000];
	[tilespmem:s31+$0x4440] =	vst v0;
	v0 =	vadd.f32 v5, v4  }
0x9d: {  	v4 =	vld [tilespmem:s6+$0x10000]  }
0x9e: {  	v5 =	vld [tilespmem:s6+$0x4010];
	[tilespmem:s31+$0x4450] =	vst v0;
	v0 =	vadd.f32 v3, v1  }
0x9f: {  	v1 =	vld [tilespmem:s6+$0x10010]  }
0xa0: {  	v3 =	vld [tilespmem:s6+$0x4020];
	v2 =	vadd.f32 v2, v7;
	[tilespmem:s31+$0x4460] =	vst v0;
	s31 =	smov.u32 s6  }
0xa1: {  	v0 =	vld [tilespmem:s31+$0x10020]  }
0xa2: {  	v4 =	vadd.f32 v4, v6;
	v6 =	vld [tilespmem:s31+$0x4030];
	[tilespmem:s31+$0x4470] =	vst v2  }
0xa3: {  	v2 =	vld [tilespmem:s31+$0x10030]  }
0xa4: {  	[tilespmem:s31+$0x4000] =	vst v4;
	v1 =	vadd.f32 v1, v5;
	v4 =	vld [tilespmem:s31+$0x4040]  }
0xa5: {  	v5 =	vld [tilespmem:s31+$0x10040]  }
0xa6: {  	[tilespmem:s31+$0x4010] =	vst v1;
	v0 =	vadd.f32 v0, v3;
	v1 =	vld [tilespmem:s31+$0x4050]  }
0xa7: {  	v3 =	vld [tilespmem:s31+$0x10050]  }
0xa8: {  	[tilespmem:s31+$0x4020] =	vst v0;
	v0 =	vadd.f32 v2, v6;
	v2 =	vld [tilespmem:s31+$0x4060]  }
0xa9: {  	v6 =	vld [tilespmem:s31+$0x10060]  }
0xaa: {  	[tilespmem:s31+$0x4030] =	vst v0;
	v0 =	vadd.f32 v5, v4;
	v4 =	vld [tilespmem:s31+$0x4070]  }
0xab: {  	v5 =	vld [tilespmem:s31+$0x10070]  }
0xac: {  	[tilespmem:s31+$0x4040] =	vst v0;
	v0 =	vadd.f32 v3, v1;
	v3 =	vld [tilespmem:s31+$0x4400]  }
0xad: {  	v7 =	vld [tilespmem:s31+$0x10400]  }
0xae: {  	[tilespmem:s31+$0x4050] =	vst v0;
	v0 =	vadd.f32 v6, v2;
	v2 =	vld [tilespmem:s31+$0x4410]  }
0xaf: {  	v6 =	vld [tilespmem:s31+$0x10410]  }
.Ltmp1:
0xb0: {  	[tilespmem:s31+$0x4060] =	vst v0;
	v0 =	vadd.f32 v5, v4;
	v1 =	vld [tilespmem:s31+$0x4420];
	(pc) =	sbr.rel @p0 .LBB2_5-.Ltmp1, $4  }
0xb1: {  	v4 =	vld [tilespmem:s31+$0x10420]  }
0xb2: {  	[tilespmem:s31+$0x4070] =	vst v0;
	v5 =	vadd.f32 v7, v3;
	v0 =	vld [tilespmem:s31+$0x4430]  }
0xb3: {  	v3 =	vld [tilespmem:s31+$0x10430]  }
0xb4: {  	[tilespmem:s31+$0x4400] =	vst v5;
	v5 =	vadd.f32 v6, v2;
	v2 =	vld [tilespmem:s31+$0x4440]  }
0xb5: {  	v6 =	vld [tilespmem:s31+$0x10440]  }
0xb6: {  	v7 =	vld [tilespmem:s31+$0x4450]  }
0xb7: {  	v8 =	vld [tilespmem:s31+$0x10450]  }
0xb8: {  	v9 =	vld [tilespmem:s31+$0x4460]  }
0xb9: {  	v10 =	vld [tilespmem:s31+$0x10460]  }
0xba: {  	v1 =	vadd.f32 v4, v1  }
0xbb: {  	[tilespmem:s31+$0x4410] =	vst v5;
	v0 =	vadd.f32 v3, v0  }
0xbc: {  	[tilespmem:s31+$0x4420] =	vst v1;
	v1 =	vadd.f32 v6, v2  }
0xbd: {  	[tilespmem:s31+$0x4430] =	vst v0;
	v0 =	vadd.f32 v8, v7  }
0xbe: {  	[tilespmem:s31+$0x4440] =	vst v1;
	v1 =	vadd.f32 v10, v9  }
0xbf: {  	[tilespmem:s31+$0x4450] =	vst v0  }
0xc0: {  	[tilespmem:s31+$0x4460] =	vst v1  }
0xc1: {  	s3 =	rddreg [dreg:$0x9]  }
0xc2: {  	s31 =	simm.s32 $0x0;
	s3 =	sadd.s32 s10, s3  }
0xc3: {  	[hbm4b:s3+s31] =	stream.linear.scatter [tilespmem:s16], [sflag:$0x6], $0x4000, $0x38;
	[tilespmem:$0x18000] =	vst v63  }
0xc4: {  	_ =	swait.ge [sflag:s23], $0x4000  }
0xc5: {  	[sflag:s23] =	ssyncset.done $0x0  }
0xc6: {  	[sflag:s23] =	ssyncadd.s32 $0xFFFFC000  }
0xc7: {  	_ =	swait.ge [sflag:s24], $0x4000  }
0xc8: {  	[sflag:s24] =	ssyncset.done $0x0  }
0xc9: {  	s7 =	sadd.s32 s1, s8;
	s9 =	simm.s32 $0x0;
	[sflag:s24] =	ssyncadd.s32 $0xFFFFC000  }
0xca: {  	[tilespmem:s31], [sflag:$0x1] =	stream.linear.gather [hbm4b:s7+s31], $0x4000, $0x38;
	[tilespmem:$0x18000] =	vst v63  }
0xcb: {  	s6 =	sand.u32 $0x1800, s31;
	s3 =	sand.u32 $0x2000, s9;
	s7 =	simm.s32 $0x0  }
0xcc: {  	s3 =	sor.u32 s6, s3;
	s20 =	sand.u32 $0x380, s7  }
0xcd: {  	s20 =	sor.u32 s20, s3  }
0xce: {  	v0 =	vld [tilespmem:s20+$0x8470]  }
0xcf: {  	v1 =	vld [tilespmem:s20+$0x10470]  }
0xd0: {  	v2 =	vld [tilespmem:s20+$0x8000]  }
0xd1: {  	v3 =	vld [tilespmem:s20+$0x10000]  }
0xd2: {  	v4 =	vld [tilespmem:s20+$0x8010]  }
0xd3: {  	v5 =	vld [tilespmem:s20+$0x10010]  }
0xd4: {  	v6 =	vld [tilespmem:s20+$0x8020]  }
0xd5: {  	v7 =	vld [tilespmem:s20+$0x10020]  }
0xd6: {  	v60 =	vld [tilespmem:s20+$0x8030]  }
0xd7: {  	v61 =	vld [tilespmem:s20+$0x10030]  }
0xd8: {  	v62 =	vld [tilespmem:s20+$0x8040]  }
0xd9: {  	v11 =	vld [tilespmem:s20+$0x10040]  }
0xda: {  	v12 =	vld [tilespmem:s20+$0x8050]  }
0xdb: {  	v13 =	vld [tilespmem:s20+$0x10050]  }
0xdc: {  	v14 =	vld [tilespmem:s20+$0x8060]  }
0xdd: {  	v0 =	vadd.f32 v1, v0;
	v1 =	vld [tilespmem:s20+$0x10060]  }
0xde: {  	v2 =	vadd.f32 v3, v2;
	v3 =	vld [tilespmem:s20+$0x8070]  }
0xdf: {  	[tilespmem:s20+$0x8470] =	vst v0;
	v0 =	vadd.f32 v5, v4;
	v4 =	vld [tilespmem:s20+$0x10070]  }
0xe0: {  	[tilespmem:s20+$0x8000] =	vst v2;
	v2 =	vadd.f32 v7, v6;
	v5 =	vld [tilespmem:s20+$0x8400]  }
0xe1: {  	v6 =	vld [tilespmem:s20+$0x10400];
	[tilespmem:s20+$0x8010] =	vst v0;
	v0 =	vadd.f32 v61, v60  }
0xe2: {  	v63 =	vld [tilespmem:s20+$0x10410];
	[tilespmem:s20+$0x8020] =	vst v2;
	v2 =	vadd.f32 v11, v62  }
0xe3: {  	v7 =	vld [tilespmem:s20+$0x8410];
	[tilespmem:s20+$0x8030] =	vst v0;
	v0 =	vadd.f32 v13, v12  }
0xe4: {  	[tilespmem:s20+$0x8040] =	vst v2;
	v2 =	vadd.f32 v1, v14;
	v1 =	vld [tilespmem:s20+$0x8420]  }
0xe5: {  	v3 =	vadd.f32 v4, v3;
	v4 =	vld [tilespmem:s20+$0x10420];
	[tilespmem:s20+$0x8050] =	vst v0  }
0xe6: {  	[tilespmem:s20+$0x8060] =	vst v2;
	v2 =	vadd.f32 v6, v5;
	v0 =	vld [tilespmem:s20+$0x8430]  }
0xe7: {  	[tilespmem:s20+$0x8070] =	vst v3;
	v3 =	vld [tilespmem:s20+$0x10430]  }
0xe8: {  	s3 =	simm.s32 $0x0;
	v5 =	vadd.f32 v63, v7;
	[tilespmem:s20+$0x8400] =	vst v2;
	v2 =	vld [tilespmem:s20+$0x8440]  }
.LBB2_7:
0xe9: {  	s3 =	sadd.s32 $0x10, s3;
	v6 =	vld [tilespmem:s20+$0x10440]  }
0xea: {  	s31 =	sadd.s32 $0x800, s31;
	s6 =	sshll.u32 s3, $0x4;
	p0 =	slt.u32 s3, $0x3F0;
	[tilespmem:s20+$0x8410] =	vst v5;
	v1 =	vadd.f32 v4, v1;
	v4 =	vld [tilespmem:s20+$0x8450]  }
0xeb: {  	s7 =	sand.u32 $0x1800, s31;
	s9 =	sshll.u32 s3, $0x1;
	s6 =	sand.u32 $0x2000, s6;
	v5 =	vld [tilespmem:s20+$0x10450]  }
0xec: {  	s6 =	sor.u32 s7, s6;
	s7 =	sand.u32 $0x380, s9;
	[tilespmem:s20+$0x8420] =	vst v1;
	v0 =	vadd.f32 v3, v0;
	v1 =	vld [tilespmem:s20+$0x8460]  }
0xed: {  	s6 =	sor.u32 s7, s6;
	v3 =	vld [tilespmem:s20+$0x10460]  }
0xee: {  	v7 =	vld [tilespmem:s6+$0x8470];
	[tilespmem:s20+$0x8430] =	vst v0;
	v0 =	vadd.f32 v6, v2  }
0xef: {  	v2 =	vld [tilespmem:s6+$0x10470]  }
0xf0: {  	v6 =	vld [tilespmem:s6+$0x8000];
	[tilespmem:s20+$0x8440] =	vst v0;
	v0 =	vadd.f32 v5, v4  }
0xf1: {  	v4 =	vld [tilespmem:s6+$0x10000]  }
0xf2: {  	v5 =	vld [tilespmem:s6+$0x8010];
	[tilespmem:s20+$0x8450] =	vst v0;
	v0 =	vadd.f32 v3, v1  }
0xf3: {  	v1 =	vld [tilespmem:s6+$0x10010]  }
0xf4: {  	v3 =	vld [tilespmem:s6+$0x8020];
	v2 =	vadd.f32 v2, v7;
	[tilespmem:s20+$0x8460] =	vst v0;
	s20 =	smov.u32 s6  }
0xf5: {  	v0 =	vld [tilespmem:s20+$0x10020]  }
0xf6: {  	v4 =	vadd.f32 v4, v6;
	v6 =	vld [tilespmem:s20+$0x8030];
	[tilespmem:s20+$0x8470] =	vst v2  }
0xf7: {  	v2 =	vld [tilespmem:s20+$0x10030]  }
0xf8: {  	[tilespmem:s20+$0x8000] =	vst v4;
	v1 =	vadd.f32 v1, v5;
	v4 =	vld [tilespmem:s20+$0x8040]  }
0xf9: {  	v5 =	vld [tilespmem:s20+$0x10040]  }
0xfa: {  	[tilespmem:s20+$0x8010] =	vst v1;
	v0 =	vadd.f32 v0, v3;
	v1 =	vld [tilespmem:s20+$0x8050]  }
0xfb: {  	v3 =	vld [tilespmem:s20+$0x10050]  }
0xfc: {  	[tilespmem:s20+$0x8020] =	vst v0;
	v0 =	vadd.f32 v2, v6;
	v2 =	vld [tilespmem:s20+$0x8060]  }
0xfd: {  	v6 =	vld [tilespmem:s20+$0x10060]  }
0xfe: {  	[tilespmem:s20+$0x8030] =	vst v0;
	v0 =	vadd.f32 v5, v4;
	v4 =	vld [tilespmem:s20+$0x8070]  }
0xff: {  	v5 =	vld [tilespmem:s20+$0x10070]  }
0x100: {  	[tilespmem:s20+$0x8040] =	vst v0;
	v0 =	vadd.f32 v3, v1;
	v3 =	vld [tilespmem:s20+$0x8400]  }
0x101: {  	v7 =	vld [tilespmem:s20+$0x10400]  }
0x102: {  	[tilespmem:s20+$0x8050] =	vst v0;
	v0 =	vadd.f32 v6, v2;
	v2 =	vld [tilespmem:s20+$0x8410]  }
0x103: {  	v6 =	vld [tilespmem:s20+$0x10410]  }
.Ltmp2:
0x104: {  	[tilespmem:s20+$0x8060] =	vst v0;
	v0 =	vadd.f32 v5, v4;
	v1 =	vld [tilespmem:s20+$0x8420];
	(pc) =	sbr.rel @p0 .LBB2_7-.Ltmp2, $4  }
0x105: {  	v4 =	vld [tilespmem:s20+$0x10420]  }
0x106: {  	[tilespmem:s20+$0x8070] =	vst v0;
	v5 =	vadd.f32 v7, v3;
	v0 =	vld [tilespmem:s20+$0x8430]  }
0x107: {  	v3 =	vld [tilespmem:s20+$0x10430]  }
0x108: {  	[tilespmem:s20+$0x8400] =	vst v5;
	v5 =	vadd.f32 v6, v2;
	v2 =	vld [tilespmem:s20+$0x8440]  }
0x109: {  	v6 =	vld [tilespmem:s20+$0x10440]  }
0x10a: {  	v7 =	vld [tilespmem:s20+$0x8450]  }
0x10b: {  	v8 =	vld [tilespmem:s20+$0x10450]  }
0x10c: {  	v9 =	vld [tilespmem:s20+$0x8460]  }
0x10d: {  	v10 =	vld [tilespmem:s20+$0x10460]  }
0x10e: {  	v1 =	vadd.f32 v4, v1  }
0x10f: {  	[tilespmem:s20+$0x8410] =	vst v5;
	v0 =	vadd.f32 v3, v0  }
0x110: {  	[tilespmem:s20+$0x8420] =	vst v1;
	v1 =	vadd.f32 v6, v2  }
0x111: {  	[tilespmem:s20+$0x8430] =	vst v0;
	v0 =	vadd.f32 v8, v7  }
0x112: {  	[tilespmem:s20+$0x8440] =	vst v1;
	v1 =	vadd.f32 v10, v9  }
0x113: {  	[tilespmem:s20+$0x8450] =	vst v0  }
0x114: {  	s3 =	sadd.s32 s4, s11;
	s11 =	simm.s32 $0x0;
	[tilespmem:s20+$0x8460] =	vst v1  }
0x115: {  	[hbm4b:s3+s11] =	stream.linear.scatter [tilespmem:s19], [sflag:$0x7], $0x4000, $0x38;
	[tilespmem:$0x18000] =	vst v63  }
0x116: {  	_ =	swait.ge [sflag:s25], $0x4000  }
0x117: {  	s10 =	sor.u32 $0x80800, s10;
	[sflag:s25] =	ssyncset.done $0x0  }
0x118: {  	s7 =	simm.s32 $0x0;
	s20 =	simm.s32 $0x0;
	[sflag:s25] =	ssyncadd.s32 $0xFFFFC000  }
0x119: {  	s6 =	sand.u32 $0x1800, s11;
	s3 =	sand.u32 $0x2000, s20;
	_ =	swait.ge [sflag:s26], $0x4000  }
0x11a: {  	s31 =	sand.u32 $0x380, s7;
	s3 =	sor.u32 s6, s3;
	[sflag:s26] =	ssyncset.done $0x0  }
0x11b: {  	s9 =	sadd.s32 s1, s10;
	s20 =	sor.u32 s31, s3;
	[sflag:s26] =	ssyncadd.s32 $0xFFFFC000  }
0x11c: {  	[tilespmem:s16], [sflag:$0x2] =	stream.linear.gather [hbm4b:s9+s11], $0x4000, $0x38;
	[tilespmem:$0x18000] =	vst v63  }
0x11d: {  	v0 =	vld [tilespmem:s20+$0xC470]  }
0x11e: {  	v1 =	vld [tilespmem:s20+$0x10470]  }
0x11f: {  	v2 =	vld [tilespmem:s20+$0xC000]  }
0x120: {  	v3 =	vld [tilespmem:s20+$0x10000]  }
0x121: {  	v4 =	vld [tilespmem:s20+$0xC010]  }
0x122: {  	v5 =	vld [tilespmem:s20+$0x10010]  }
0x123: {  	v6 =	vld [tilespmem:s20+$0xC020]  }
0x124: {  	v7 =	vld [tilespmem:s20+$0x10020]  }
0x125: {  	v60 =	vld [tilespmem:s20+$0xC030]  }
0x126: {  	v61 =	vld [tilespmem:s20+$0x10030]  }
0x127: {  	v62 =	vld [tilespmem:s20+$0xC040]  }
0x128: {  	v11 =	vld [tilespmem:s20+$0x10040]  }
0x129: {  	v12 =	vld [tilespmem:s20+$0xC050]  }
0x12a: {  	v13 =	vld [tilespmem:s20+$0x10050]  }
0x12b: {  	v14 =	vld [tilespmem:s20+$0xC060]  }
0x12c: {  	v0 =	vadd.f32 v1, v0;
	v1 =	vld [tilespmem:s20+$0x10060]  }
0x12d: {  	v2 =	vadd.f32 v3, v2;
	v3 =	vld [tilespmem:s20+$0xC070]  }
0x12e: {  	[tilespmem:s20+$0xC470] =	vst v0;
	v0 =	vadd.f32 v5, v4;
	v4 =	vld [tilespmem:s20+$0x10070]  }
0x12f: {  	[tilespmem:s20+$0xC000] =	vst v2;
	v2 =	vadd.f32 v7, v6;
	v5 =	vld [tilespmem:s20+$0xC400]  }
0x130: {  	v6 =	vld [tilespmem:s20+$0x10400];
	[tilespmem:s20+$0xC010] =	vst v0;
	v0 =	vadd.f32 v61, v60  }
0x131: {  	v63 =	vld [tilespmem:s20+$0x10410];
	[tilespmem:s20+$0xC020] =	vst v2;
	v2 =	vadd.f32 v11, v62  }
0x132: {  	v7 =	vld [tilespmem:s20+$0xC410];
	[tilespmem:s20+$0xC030] =	vst v0;
	v0 =	vadd.f32 v13, v12  }
0x133: {  	[tilespmem:s20+$0xC040] =	vst v2;
	v2 =	vadd.f32 v1, v14;
	v1 =	vld [tilespmem:s20+$0xC420]  }
0x134: {  	v3 =	vadd.f32 v4, v3;
	v4 =	vld [tilespmem:s20+$0x10420];
	[tilespmem:s20+$0xC050] =	vst v0  }
0x135: {  	[tilespmem:s20+$0xC060] =	vst v2;
	v2 =	vadd.f32 v6, v5;
	v0 =	vld [tilespmem:s20+$0xC430]  }
0x136: {  	[tilespmem:s20+$0xC070] =	vst v3;
	v3 =	vld [tilespmem:s20+$0x10430]  }
0x137: {  	s3 =	simm.s32 $0x0;
	v5 =	vadd.f32 v63, v7;
	[tilespmem:s20+$0xC400] =	vst v2;
	v2 =	vld [tilespmem:s20+$0xC440]  }
.LBB2_9:
0x138: {  	s3 =	sadd.s32 $0x10, s3;
	v6 =	vld [tilespmem:s20+$0x10440]  }
0x139: {  	s11 =	sadd.s32 $0x800, s11;
	s6 =	sshll.u32 s3, $0x4;
	p0 =	slt.u32 s3, $0x3F0;
	[tilespmem:s20+$0xC410] =	vst v5;
	v1 =	vadd.f32 v4, v1;
	v4 =	vld [tilespmem:s20+$0xC450]  }
0x13a: {  	s7 =	sand.u32 $0x1800, s11;
	s9 =	sshll.u32 s3, $0x1;
	s6 =	sand.u32 $0x2000, s6;
	v5 =	vld [tilespmem:s20+$0x10450]  }
0x13b: {  	s6 =	sor.u32 s7, s6;
	s7 =	sand.u32 $0x380, s9;
	[tilespmem:s20+$0xC420] =	vst v1;
	v0 =	vadd.f32 v3, v0;
	v1 =	vld [tilespmem:s20+$0xC460]  }
0x13c: {  	s6 =	sor.u32 s7, s6;
	v3 =	vld [tilespmem:s20+$0x10460]  }
0x13d: {  	v7 =	vld [tilespmem:s6+$0xC470];
	[tilespmem:s20+$0xC430] =	vst v0;
	v0 =	vadd.f32 v6, v2  }
0x13e: {  	v2 =	vld [tilespmem:s6+$0x10470]  }
0x13f: {  	v6 =	vld [tilespmem:s6+$0xC000];
	[tilespmem:s20+$0xC440] =	vst v0;
	v0 =	vadd.f32 v5, v4  }
0x140: {  	v4 =	vld [tilespmem:s6+$0x10000]  }
0x141: {  	v5 =	vld [tilespmem:s6+$0xC010];
	[tilespmem:s20+$0xC450] =	vst v0;
	v0 =	vadd.f32 v3, v1  }
0x142: {  	v1 =	vld [tilespmem:s6+$0x10010]  }
0x143: {  	v3 =	vld [tilespmem:s6+$0xC020];
	v2 =	vadd.f32 v2, v7;
	[tilespmem:s20+$0xC460] =	vst v0;
	s20 =	smov.u32 s6  }
0x144: {  	v0 =	vld [tilespmem:s20+$0x10020]  }
0x145: {  	v4 =	vadd.f32 v4, v6;
	v6 =	vld [tilespmem:s20+$0xC030];
	[tilespmem:s20+$0xC470] =	vst v2  }
0x146: {  	v2 =	vld [tilespmem:s20+$0x10030]  }
0x147: {  	[tilespmem:s20+$0xC000] =	vst v4;
	v1 =	vadd.f32 v1, v5;
	v4 =	vld [tilespmem:s20+$0xC040]  }
0x148: {  	v5 =	vld [tilespmem:s20+$0x10040]  }
0x149: {  	[tilespmem:s20+$0xC010] =	vst v1;
	v0 =	vadd.f32 v0, v3;
	v1 =	vld [tilespmem:s20+$0xC050]  }
0x14a: {  	v3 =	vld [tilespmem:s20+$0x10050]  }
0x14b: {  	[tilespmem:s20+$0xC020] =	vst v0;
	v0 =	vadd.f32 v2, v6;
	v2 =	vld [tilespmem:s20+$0xC060]  }
0x14c: {  	v6 =	vld [tilespmem:s20+$0x10060]  }
0x14d: {  	[tilespmem:s20+$0xC030] =	vst v0;
	v0 =	vadd.f32 v5, v4;
	v4 =	vld [tilespmem:s20+$0xC070]  }
0x14e: {  	v5 =	vld [tilespmem:s20+$0x10070]  }
0x14f: {  	[tilespmem:s20+$0xC040] =	vst v0;
	v0 =	vadd.f32 v3, v1;
	v3 =	vld [tilespmem:s20+$0xC400]  }
0x150: {  	v7 =	vld [tilespmem:s20+$0x10400]  }
0x151: {  	[tilespmem:s20+$0xC050] =	vst v0;
	v0 =	vadd.f32 v6, v2;
	v2 =	vld [tilespmem:s20+$0xC410]  }
0x152: {  	v6 =	vld [tilespmem:s20+$0x10410]  }
.Ltmp3:
0x153: {  	[tilespmem:s20+$0xC060] =	vst v0;
	v0 =	vadd.f32 v5, v4;
	v1 =	vld [tilespmem:s20+$0xC420];
	(pc) =	sbr.rel @p0 .LBB2_9-.Ltmp3, $4  }
0x154: {  	v4 =	vld [tilespmem:s20+$0x10420]  }
0x155: {  	[tilespmem:s20+$0xC070] =	vst v0;
	v5 =	vadd.f32 v7, v3;
	v0 =	vld [tilespmem:s20+$0xC430]  }
0x156: {  	v3 =	vld [tilespmem:s20+$0x10430]  }
0x157: {  	[tilespmem:s20+$0xC400] =	vst v5;
	v5 =	vadd.f32 v6, v2;
	v2 =	vld [tilespmem:s20+$0xC440]  }
0x158: {  	v6 =	vld [tilespmem:s20+$0x10440]  }
0x159: {  	v7 =	vld [tilespmem:s20+$0xC450]  }
0x15a: {  	v8 =	vld [tilespmem:s20+$0x10450]  }
0x15b: {  	v9 =	vld [tilespmem:s20+$0xC460]  }
0x15c: {  	v10 =	vld [tilespmem:s20+$0x10460]  }
0x15d: {  	v1 =	vadd.f32 v4, v1  }
0x15e: {  	[tilespmem:s20+$0xC410] =	vst v5;
	v0 =	vadd.f32 v3, v0  }
0x15f: {  	[tilespmem:s20+$0xC420] =	vst v1;
	v1 =	vadd.f32 v6, v2  }
0x160: {  	[tilespmem:s20+$0xC430] =	vst v0;
	v0 =	vadd.f32 v8, v7  }
0x161: {  	[tilespmem:s20+$0xC440] =	vst v1;
	v1 =	vadd.f32 v10, v9  }
0x162: {  	[tilespmem:s20+$0xC450] =	vst v0  }
0x163: {  	s3 =	sadd.s32 s4, s14;
	s14 =	simm.s32 $0x0;
	[tilespmem:s20+$0xC460] =	vst v1  }
0x164: {  	[hbm4b:s3+s14] =	stream.linear.scatter [tilespmem:s22], [sflag:$0x8], $0x4000, $0x38;
	[tilespmem:$0x18000] =	vst v63  }
0x165: {  	_ =	swait.ge [sflag:s28], $0x4000  }
0x166: {  	[sflag:s28] =	ssyncset.done $0x0  }
0x167: {  	[sflag:s28] =	ssyncadd.s32 $0xFFFFC000  }
0x168: {  	_ =	swait.ge [sflag:s18], $0x4000  }
0x169: {  	[sflag:s18] =	ssyncset.done $0x0  }
0x16a: {  	[sflag:s18] =	ssyncadd.s32 $0xFFFFC000  }
0x16b: {  	_ =	swait.ge [sflag:s29], $0x4000  }
0x16c: {  	s11 =	sor.u32 $0x100800, s2;
	[sflag:s29] =	ssyncset.done $0x0  }
0x16d: {  	s9 =	simm.s32 $0x0;
	s7 =	sadd.s32 s1, s11;
	[sflag:s29] =	ssyncadd.s32 $0xFFFFC000  }
0x16e: {  	[tilespmem:s19], [sflag:$0x3] =	stream.linear.gather [hbm4b:s7+s14], $0x4000, $0x38;
	[tilespmem:$0x18000] =	vst v63  }
0x16f: {  	s6 =	sand.u32 $0x1800, s14;
	s3 =	sand.u32 $0x2000, s9;
	s7 =	simm.s32 $0x0  }
0x170: {  	s3 =	sor.u32 s6, s3;
	s20 =	sand.u32 $0x380, s7  }
0x171: {  	s20 =	sor.u32 s20, s3  }
0x172: {  	v0 =	vld [tilespmem:s20+$0x470]  }
0x173: {  	v1 =	vld [tilespmem:s20+$0x14470]  }
0x174: {  	v2 =	vld [tilespmem:s20+$0x0]  }
0x175: {  	v3 =	vld [tilespmem:s20+$0x14000]  }
0x176: {  	v4 =	vld [tilespmem:s20+$0x10]  }
0x177: {  	v5 =	vld [tilespmem:s20+$0x14010]  }
0x178: {  	v6 =	vld [tilespmem:s20+$0x20]  }
0x179: {  	v7 =	vld [tilespmem:s20+$0x14020]  }
0x17a: {  	v60 =	vld [tilespmem:s20+$0x30]  }
0x17b: {  	v61 =	vld [tilespmem:s20+$0x14030]  }
0x17c: {  	v62 =	vld [tilespmem:s20+$0x40]  }
0x17d: {  	v11 =	vld [tilespmem:s20+$0x14040]  }
0x17e: {  	v12 =	vld [tilespmem:s20+$0x50]  }
0x17f: {  	v13 =	vld [tilespmem:s20+$0x14050]  }
0x180: {  	v14 =	vld [tilespmem:s20+$0x60]  }
0x181: {  	v0 =	vadd.f32 v1, v0;
	v1 =	vld [tilespmem:s20+$0x14060]  }
0x182: {  	v2 =	vadd.f32 v3, v2;
	v3 =	vld [tilespmem:s20+$0x70]  }
0x183: {  	[tilespmem:s20+$0x470] =	vst v0;
	v0 =	vadd.f32 v5, v4;
	v4 =	vld [tilespmem:s20+$0x14070]  }
0x184: {  	[tilespmem:s20+$0x0] =	vst v2;
	v2 =	vadd.f32 v7, v6;
	v5 =	vld [tilespmem:s20+$0x400]  }
0x185: {  	v6 =	vld [tilespmem:s20+$0x14400];
	[tilespmem:s20+$0x10] =	vst v0;
	v0 =	vadd.f32 v61, v60  }
0x186: {  	v63 =	vld [tilespmem:s20+$0x14410];
	[tilespmem:s20+$0x20] =	vst v2;
	v2 =	vadd.f32 v11, v62  }
0x187: {  	v7 =	vld [tilespmem:s20+$0x410];
	[tilespmem:s20+$0x30] =	vst v0;
	v0 =	vadd.f32 v13, v12  }
0x188: {  	[tilespmem:s20+$0x40] =	vst v2;
	v2 =	vadd.f32 v1, v14;
	v1 =	vld [tilespmem:s20+$0x420]  }
0x189: {  	v3 =	vadd.f32 v4, v3;
	v4 =	vld [tilespmem:s20+$0x14420];
	[tilespmem:s20+$0x50] =	vst v0  }
0x18a: {  	[tilespmem:s20+$0x60] =	vst v2;
	v2 =	vadd.f32 v6, v5;
	v0 =	vld [tilespmem:s20+$0x430]  }
0x18b: {  	[tilespmem:s20+$0x70] =	vst v3;
	v3 =	vld [tilespmem:s20+$0x14430]  }
0x18c: {  	s31 =	smov.u32 s12;
	s3 =	simm.s32 $0x0;
	v5 =	vadd.f32 v63, v7;
	[tilespmem:s20+$0x400] =	vst v2;
	v2 =	vld [tilespmem:s20+$0x440]  }
.LBB2_11:
0x18d: {  	s3 =	sadd.s32 $0x10, s3;
	v6 =	vld [tilespmem:s20+$0x14440]  }
0x18e: {  	s14 =	sadd.s32 $0x800, s14;
	s6 =	sshll.u32 s3, $0x4;
	p0 =	slt.u32 s3, $0x3F0;
	[tilespmem:s20+$0x410] =	vst v5;
	v1 =	vadd.f32 v4, v1;
	v4 =	vld [tilespmem:s20+$0x450]  }
0x18f: {  	s7 =	sand.u32 $0x1800, s14;
	s9 =	sshll.u32 s3, $0x1;
	s6 =	sand.u32 $0x2000, s6;
	v5 =	vld [tilespmem:s20+$0x14450]  }
0x190: {  	s6 =	sor.u32 s7, s6;
	s7 =	sand.u32 $0x380, s9;
	[tilespmem:s20+$0x420] =	vst v1;
	v0 =	vadd.f32 v3, v0;
	v1 =	vld [tilespmem:s20+$0x460]  }
0x191: {  	s6 =	sor.u32 s7, s6;
	v3 =	vld [tilespmem:s20+$0x14460]  }
0x192: {  	v7 =	vld [tilespmem:s6+$0x470];
	[tilespmem:s20+$0x430] =	vst v0;
	v0 =	vadd.f32 v6, v2  }
0x193: {  	v2 =	vld [tilespmem:s6+$0x14470]  }
0x194: {  	v6 =	vld [tilespmem:s6+$0x0];
	[tilespmem:s20+$0x440] =	vst v0;
	v0 =	vadd.f32 v5, v4  }
0x195: {  	v4 =	vld [tilespmem:s6+$0x14000]  }
0x196: {  	v5 =	vld [tilespmem:s6+$0x10];
	[tilespmem:s20+$0x450] =	vst v0;
	v0 =	vadd.f32 v3, v1  }
0x197: {  	v1 =	vld [tilespmem:s6+$0x14010]  }
0x198: {  	v3 =	vld [tilespmem:s6+$0x20];
	v2 =	vadd.f32 v2, v7;
	[tilespmem:s20+$0x460] =	vst v0;
	s20 =	smov.u32 s6  }
0x199: {  	v0 =	vld [tilespmem:s20+$0x14020]  }
0x19a: {  	v4 =	vadd.f32 v4, v6;
	v6 =	vld [tilespmem:s20+$0x30];
	[tilespmem:s20+$0x470] =	vst v2  }
0x19b: {  	v2 =	vld [tilespmem:s20+$0x14030]  }
0x19c: {  	[tilespmem:s20+$0x0] =	vst v4;
	v1 =	vadd.f32 v1, v5;
	v4 =	vld [tilespmem:s20+$0x40]  }
0x19d: {  	v5 =	vld [tilespmem:s20+$0x14040]  }
0x19e: {  	[tilespmem:s20+$0x10] =	vst v1;
	v0 =	vadd.f32 v0, v3;
	v1 =	vld [tilespmem:s20+$0x50]  }
0x19f: {  	v3 =	vld [tilespmem:s20+$0x14050]  }
0x1a0: {  	[tilespmem:s20+$0x20] =	vst v0;
	v0 =	vadd.f32 v2, v6;
	v2 =	vld [tilespmem:s20+$0x60]  }
0x1a1: {  	v6 =	vld [tilespmem:s20+$0x14060]  }
0x1a2: {  	[tilespmem:s20+$0x30] =	vst v0;
	v0 =	vadd.f32 v5, v4;
	v4 =	vld [tilespmem:s20+$0x70]  }
0x1a3: {  	v5 =	vld [tilespmem:s20+$0x14070]  }
0x1a4: {  	[tilespmem:s20+$0x40] =	vst v0;
	v0 =	vadd.f32 v3, v1;
	v3 =	vld [tilespmem:s20+$0x400]  }
0x1a5: {  	v7 =	vld [tilespmem:s20+$0x14400]  }
0x1a6: {  	[tilespmem:s20+$0x50] =	vst v0;
	v0 =	vadd.f32 v6, v2;
	v2 =	vld [tilespmem:s20+$0x410]  }
0x1a7: {  	v6 =	vld [tilespmem:s20+$0x14410]  }
.Ltmp4:
0x1a8: {  	[tilespmem:s20+$0x60] =	vst v0;
	v0 =	vadd.f32 v5, v4;
	v1 =	vld [tilespmem:s20+$0x420];
	(pc) =	sbr.rel @p0 .LBB2_11-.Ltmp4, $4  }
0x1a9: {  	v4 =	vld [tilespmem:s20+$0x14420]  }
0x1aa: {  	[tilespmem:s20+$0x70] =	vst v0;
	v5 =	vadd.f32 v7, v3;
	v0 =	vld [tilespmem:s20+$0x430]  }
0x1ab: {  	v3 =	vld [tilespmem:s20+$0x14430]  }
0x1ac: {  	[tilespmem:s20+$0x400] =	vst v5;
	v5 =	vadd.f32 v6, v2;
	v2 =	vld [tilespmem:s20+$0x440]  }
0x1ad: {  	v6 =	vld [tilespmem:s20+$0x14440]  }
0x1ae: {  	v7 =	vld [tilespmem:s20+$0x450]  }
0x1af: {  	v8 =	vld [tilespmem:s20+$0x14450]  }
0x1b0: {  	v9 =	vld [tilespmem:s20+$0x460]  }
0x1b1: {  	v10 =	vld [tilespmem:s20+$0x14460]  }
0x1b2: {  	v1 =	vadd.f32 v4, v1  }
0x1b3: {  	[tilespmem:s20+$0x410] =	vst v5;
	v0 =	vadd.f32 v3, v0  }
0x1b4: {  	[tilespmem:s20+$0x420] =	vst v1;
	v1 =	vadd.f32 v6, v2  }
0x1b5: {  	[tilespmem:s20+$0x430] =	vst v0;
	v0 =	vadd.f32 v8, v7  }
0x1b6: {  	[tilespmem:s20+$0x440] =	vst v1;
	v1 =	vadd.f32 v10, v9  }
0x1b7: {  	[tilespmem:s20+$0x450] =	vst v0  }
0x1b8: {  	s3 =	sadd.s32 s4, s8;
	[tilespmem:s20+$0x460] =	vst v1  }
0x1b9: {  	[hbm4b:s3+s5] =	stream.linear.scatter [tilespmem:s5], [sflag:$0x5], $0x4000, $0x38;
	[tilespmem:$0x18000] =	vst v63  }
0x1ba: {  	p0 =	seq.s32 s0, $0x3;
	s3 =	rddreg [dreg:$0xa]  }
0x1bb: {  	s3 =	sadd.s32 @!p0 s15, s3  }
0x1bc: {  	s8 =	sshll.u32 @!p0 s3, $0x7  }
0x1bd: {  	s6 =	simm.s32 @!p0 $0x0;
	s7 =	simm.s32 @!p0 $0x10000;
	s3 =	sadd.s32 @!p0 s31, s8  }
0x1be: {  	[tilespmem:s7], [sflag:$0x9] =	stream.linear.gather @!p0 [hbm4b:s3+s6], $0x4000, $0x38;
	[tilespmem:$0x18000] =	vst v63  }
0x1bf: {  	_ =	swait.ge [sflag:s21], $0x4000  }
0x1c0: {  	s2 =	sor.u32 $0x180800, s2;
	s9 =	simm.s32 $0x0;
	[sflag:s21] =	ssyncset.done $0x0  }
0x1c1: {  	s14 =	simm.s32 $0x0;
	s15 =	simm.s32 $0x0;
	[sflag:s21] =	ssyncadd.s32 $0xFFFFC000  }
0x1c2: {  	s12 =	sand.u32 $0x1800, s15;
	s3 =	sand.u32 $0x2000, s9;
	_ =	swait.ge [sflag:s30], $0x4000  }
0x1c3: {  	s20 =	sand.u32 $0x380, s14;
	s3 =	sor.u32 s12, s3;
	[sflag:s30] =	ssyncset.done $0x0  }
0x1c4: {  	s7 =	sadd.s32 s1, s2;
	s14 =	sor.u32 s20, s3;
	[sflag:s30] =	ssyncadd.s32 $0xFFFFC000  }
0x1c5: {  	[tilespmem:s22], [sflag:$0x4] =	stream.linear.gather [hbm4b:s7+s15], $0x4000, $0x38;
	[tilespmem:$0x18000] =	vst v63  }
0x1c6: {  	v0 =	vld [tilespmem:s14+$0x4470]  }
0x1c7: {  	v1 =	vld [tilespmem:s14+$0x14470]  }
0x1c8: {  	v2 =	vld [tilespmem:s14+$0x4000]  }
0x1c9: {  	v3 =	vld [tilespmem:s14+$0x14000]  }
0x1ca: {  	v4 =	vld [tilespmem:s14+$0x4010]  }
0x1cb: {  	v5 =	vld [tilespmem:s14+$0x14010]  }
0x1cc: {  	v6 =	vld [tilespmem:s14+$0x4020]  }
0x1cd: {  	v7 =	vld [tilespmem:s14+$0x14020]  }
0x1ce: {  	v60 =	vld [tilespmem:s14+$0x4030]  }
0x1cf: {  	v61 =	vld [tilespmem:s14+$0x14030]  }
0x1d0: {  	v62 =	vld [tilespmem:s14+$0x4040]  }
0x1d1: {  	v11 =	vld [tilespmem:s14+$0x14040]  }
0x1d2: {  	v12 =	vld [tilespmem:s14+$0x4050]  }
0x1d3: {  	v13 =	vld [tilespmem:s14+$0x14050]  }
0x1d4: {  	v14 =	vld [tilespmem:s14+$0x4060]  }
0x1d5: {  	v0 =	vadd.f32 v1, v0;
	v1 =	vld [tilespmem:s14+$0x14060]  }
0x1d6: {  	v2 =	vadd.f32 v3, v2;
	v3 =	vld [tilespmem:s14+$0x4070]  }
0x1d7: {  	[tilespmem:s14+$0x4470] =	vst v0;
	v0 =	vadd.f32 v5, v4;
	v4 =	vld [tilespmem:s14+$0x14070]  }
0x1d8: {  	[tilespmem:s14+$0x4000] =	vst v2;
	v2 =	vadd.f32 v7, v6;
	v5 =	vld [tilespmem:s14+$0x4400]  }
0x1d9: {  	v6 =	vld [tilespmem:s14+$0x14400];
	[tilespmem:s14+$0x4010] =	vst v0;
	v0 =	vadd.f32 v61, v60  }
0x1da: {  	v63 =	vld [tilespmem:s14+$0x14410];
	[tilespmem:s14+$0x4020] =	vst v2;
	v2 =	vadd.f32 v11, v62  }
0x1db: {  	v7 =	vld [tilespmem:s14+$0x4410];
	[tilespmem:s14+$0x4030] =	vst v0;
	v0 =	vadd.f32 v13, v12  }
0x1dc: {  	[tilespmem:s14+$0x4040] =	vst v2;
	v2 =	vadd.f32 v1, v14;
	v1 =	vld [tilespmem:s14+$0x4420]  }
0x1dd: {  	v3 =	vadd.f32 v4, v3;
	v4 =	vld [tilespmem:s14+$0x14420];
	[tilespmem:s14+$0x4050] =	vst v0  }
0x1de: {  	[tilespmem:s14+$0x4060] =	vst v2;
	v2 =	vadd.f32 v6, v5;
	v0 =	vld [tilespmem:s14+$0x4430]  }
0x1df: {  	[tilespmem:s14+$0x4070] =	vst v3;
	v3 =	vld [tilespmem:s14+$0x14430]  }
0x1e0: {  	s3 =	simm.s32 $0x0;
	v5 =	vadd.f32 v63, v7;
	[tilespmem:s14+$0x4400] =	vst v2;
	v2 =	vld [tilespmem:s14+$0x4440]  }
.LBB2_13:
0x1e1: {  	s3 =	sadd.s32 $0x10, s3;
	v6 =	vld [tilespmem:s14+$0x14440]  }
0x1e2: {  	s15 =	sadd.s32 $0x800, s15;
	s6 =	sshll.u32 s3, $0x4;
	p1 =	slt.u32 s3, $0x3F0;
	[tilespmem:s14+$0x4410] =	vst v5;
	v1 =	vadd.f32 v4, v1;
	v4 =	vld [tilespmem:s14+$0x4450]  }
0x1e3: {  	s7 =	sand.u32 $0x1800, s15;
	s9 =	sshll.u32 s3, $0x1;
	s6 =	sand.u32 $0x2000, s6;
	v5 =	vld [tilespmem:s14+$0x14450]  }
0x1e4: {  	s6 =	sor.u32 s7, s6;
	s7 =	sand.u32 $0x380, s9;
	[tilespmem:s14+$0x4420] =	vst v1;
	v0 =	vadd.f32 v3, v0;
	v1 =	vld [tilespmem:s14+$0x4460]  }
0x1e5: {  	s6 =	sor.u32 s7, s6;
	v3 =	vld [tilespmem:s14+$0x14460]  }
0x1e6: {  	v7 =	vld [tilespmem:s6+$0x4470];
	[tilespmem:s14+$0x4430] =	vst v0;
	v0 =	vadd.f32 v6, v2  }
0x1e7: {  	v2 =	vld [tilespmem:s6+$0x14470]  }
0x1e8: {  	v6 =	vld [tilespmem:s6+$0x4000];
	[tilespmem:s14+$0x4440] =	vst v0;
	v0 =	vadd.f32 v5, v4  }
0x1e9: {  	v4 =	vld [tilespmem:s6+$0x14000]  }
0x1ea: {  	v5 =	vld [tilespmem:s6+$0x4010];
	[tilespmem:s14+$0x4450] =	vst v0;
	v0 =	vadd.f32 v3, v1  }
0x1eb: {  	v1 =	vld [tilespmem:s6+$0x14010]  }
0x1ec: {  	v3 =	vld [tilespmem:s6+$0x4020];
	v2 =	vadd.f32 v2, v7;
	[tilespmem:s14+$0x4460] =	vst v0;
	s14 =	smov.u32 s6  }
0x1ed: {  	v0 =	vld [tilespmem:s14+$0x14020]  }
0x1ee: {  	v4 =	vadd.f32 v4, v6;
	v6 =	vld [tilespmem:s14+$0x4030];
	[tilespmem:s14+$0x4470] =	vst v2  }
0x1ef: {  	v2 =	vld [tilespmem:s14+$0x14030]  }
0x1f0: {  	[tilespmem:s14+$0x4000] =	vst v4;
	v1 =	vadd.f32 v1, v5;
	v4 =	vld [tilespmem:s14+$0x4040]  }
0x1f1: {  	v5 =	vld [tilespmem:s14+$0x14040]  }
0x1f2: {  	[tilespmem:s14+$0x4010] =	vst v1;
	v0 =	vadd.f32 v0, v3;
	v1 =	vld [tilespmem:s14+$0x4050]  }
0x1f3: {  	v3 =	vld [tilespmem:s14+$0x14050]  }
0x1f4: {  	[tilespmem:s14+$0x4020] =	vst v0;
	v0 =	vadd.f32 v2, v6;
	v2 =	vld [tilespmem:s14+$0x4060]  }
0x1f5: {  	v6 =	vld [tilespmem:s14+$0x14060]  }
0x1f6: {  	[tilespmem:s14+$0x4030] =	vst v0;
	v0 =	vadd.f32 v5, v4;
	v4 =	vld [tilespmem:s14+$0x4070]  }
0x1f7: {  	v5 =	vld [tilespmem:s14+$0x14070]  }
0x1f8: {  	[tilespmem:s14+$0x4040] =	vst v0;
	v0 =	vadd.f32 v3, v1;
	v3 =	vld [tilespmem:s14+$0x4400]  }
0x1f9: {  	v7 =	vld [tilespmem:s14+$0x14400]  }
0x1fa: {  	[tilespmem:s14+$0x4050] =	vst v0;
	v0 =	vadd.f32 v6, v2;
	v2 =	vld [tilespmem:s14+$0x4410]  }
0x1fb: {  	v6 =	vld [tilespmem:s14+$0x14410]  }
.Ltmp5:
0x1fc: {  	[tilespmem:s14+$0x4060] =	vst v0;
	v0 =	vadd.f32 v5, v4;
	v1 =	vld [tilespmem:s14+$0x4420];
	(pc) =	sbr.rel @p1 .LBB2_13-.Ltmp5, $4  }
0x1fd: {  	v4 =	vld [tilespmem:s14+$0x14420]  }
0x1fe: {  	[tilespmem:s14+$0x4070] =	vst v0;
	v5 =	vadd.f32 v7, v3;
	v0 =	vld [tilespmem:s14+$0x4430]  }
0x1ff: {  	v3 =	vld [tilespmem:s14+$0x14430]  }
0x200: {  	[tilespmem:s14+$0x4400] =	vst v5;
	v5 =	vadd.f32 v6, v2;
	v2 =	vld [tilespmem:s14+$0x4440]  }
0x201: {  	v6 =	vld [tilespmem:s14+$0x14440]  }
0x202: {  	v7 =	vld [tilespmem:s14+$0x4450]  }
0x203: {  	v8 =	vld [tilespmem:s14+$0x14450]  }
0x204: {  	v9 =	vld [tilespmem:s14+$0x4460]  }
0x205: {  	v10 =	vld [tilespmem:s14+$0x14460]  }
0x206: {  	v1 =	vadd.f32 v4, v1  }
0x207: {  	[tilespmem:s14+$0x4410] =	vst v5;
	v0 =	vadd.f32 v3, v0  }
0x208: {  	[tilespmem:s14+$0x4420] =	vst v1;
	v1 =	vadd.f32 v6, v2  }
0x209: {  	[tilespmem:s14+$0x4430] =	vst v0;
	v0 =	vadd.f32 v8, v7  }
0x20a: {  	[tilespmem:s14+$0x4440] =	vst v1;
	v1 =	vadd.f32 v10, v9  }
0x20b: {  	[tilespmem:s14+$0x4450] =	vst v0  }
0x20c: {  	s3 =	sadd.s32 s4, s10;
	[tilespmem:s14+$0x4460] =	vst v1  }
0x20d: {  	[hbm4b:s3+s5] =	stream.linear.scatter [tilespmem:s16], [sflag:$0x6], $0x4000, $0x38;
	[tilespmem:$0x18000] =	vst v63  }
0x20e: {  	_ =	swait.ge [sflag:s23], $0x4000  }
0x20f: {  	[sflag:s23] =	ssyncset.done $0x0  }
0x210: {  	[sflag:s23] =	ssyncadd.s32 $0xFFFFC000  }
0x211: {  	_ =	swait.ge [sflag:s24], $0x4000  }
0x212: {  	s6 =	simm.s32 @!p0 $0x0;
	s12 =	simm.s32 $0x0;
	[sflag:s24] =	ssyncset.done $0x0  }
0x213: {  	s14 =	simm.s32 $0x0;
	s3 =	sadd.s32 @!p0 s1, s8;
	[sflag:s24] =	ssyncadd.s32 $0xFFFFC000  }
0x214: {  	[tilespmem:s6], [sflag:$0x1] =	stream.linear.gather @!p0 [hbm4b:s3+s6], $0x4000, $0x38;
	[tilespmem:$0x18000] =	vst v63  }
0x215: {  	s7 =	simm.s32 $0x0;
	s15 =	sand.u32 $0x1800, s14;
	s3 =	sand.u32 $0x2000, s12  }
0x216: {  	s20 =	sand.u32 $0x380, s7;
	s3 =	sor.u32 s15, s3  }
0x217: {  	s10 =	sor.u32 s20, s3  }
0x218: {  	v0 =	vld [tilespmem:s10+$0x8470]  }
0x219: {  	v1 =	vld [tilespmem:s10+$0x14470]  }
0x21a: {  	v2 =	vld [tilespmem:s10+$0x8000]  }
0x21b: {  	v3 =	vld [tilespmem:s10+$0x14000]  }
0x21c: {  	v4 =	vld [tilespmem:s10+$0x8010]  }
0x21d: {  	v5 =	vld [tilespmem:s10+$0x14010]  }
0x21e: {  	v6 =	vld [tilespmem:s10+$0x8020]  }
0x21f: {  	v7 =	vld [tilespmem:s10+$0x14020]  }
0x220: {  	v60 =	vld [tilespmem:s10+$0x8030]  }
0x221: {  	v61 =	vld [tilespmem:s10+$0x14030]  }
0x222: {  	v62 =	vld [tilespmem:s10+$0x8040]  }
0x223: {  	v11 =	vld [tilespmem:s10+$0x14040]  }
0x224: {  	v12 =	vld [tilespmem:s10+$0x8050]  }
0x225: {  	v13 =	vld [tilespmem:s10+$0x14050]  }
0x226: {  	v14 =	vld [tilespmem:s10+$0x8060]  }
0x227: {  	v0 =	vadd.f32 v1, v0;
	v1 =	vld [tilespmem:s10+$0x14060]  }
0x228: {  	v2 =	vadd.f32 v3, v2;
	v3 =	vld [tilespmem:s10+$0x8070]  }
0x229: {  	[tilespmem:s10+$0x8470] =	vst v0;
	v0 =	vadd.f32 v5, v4;
	v4 =	vld [tilespmem:s10+$0x14070]  }
0x22a: {  	[tilespmem:s10+$0x8000] =	vst v2;
	v2 =	vadd.f32 v7, v6;
	v5 =	vld [tilespmem:s10+$0x8400]  }
0x22b: {  	v6 =	vld [tilespmem:s10+$0x14400];
	[tilespmem:s10+$0x8010] =	vst v0;
	v0 =	vadd.f32 v61, v60  }
0x22c: {  	v63 =	vld [tilespmem:s10+$0x14410];
	[tilespmem:s10+$0x8020] =	vst v2;
	v2 =	vadd.f32 v11, v62  }
0x22d: {  	v7 =	vld [tilespmem:s10+$0x8410];
	[tilespmem:s10+$0x8030] =	vst v0;
	v0 =	vadd.f32 v13, v12  }
0x22e: {  	[tilespmem:s10+$0x8040] =	vst v2;
	v2 =	vadd.f32 v1, v14;
	v1 =	vld [tilespmem:s10+$0x8420]  }
0x22f: {  	v3 =	vadd.f32 v4, v3;
	v4 =	vld [tilespmem:s10+$0x14420];
	[tilespmem:s10+$0x8050] =	vst v0  }
0x230: {  	[tilespmem:s10+$0x8060] =	vst v2;
	v2 =	vadd.f32 v6, v5;
	v0 =	vld [tilespmem:s10+$0x8430]  }
0x231: {  	[tilespmem:s10+$0x8070] =	vst v3;
	v3 =	vld [tilespmem:s10+$0x14430]  }
0x232: {  	s3 =	simm.s32 $0x0;
	v5 =	vadd.f32 v63, v7;
	[tilespmem:s10+$0x8400] =	vst v2;
	v2 =	vld [tilespmem:s10+$0x8440]  }
.LBB2_15:
0x233: {  	s3 =	sadd.s32 $0x10, s3;
	v6 =	vld [tilespmem:s10+$0x14440]  }
0x234: {  	s14 =	sadd.s32 $0x800, s14;
	s6 =	sshll.u32 s3, $0x4;
	p1 =	slt.u32 s3, $0x3F0;
	[tilespmem:s10+$0x8410] =	vst v5;
	v1 =	vadd.f32 v4, v1;
	v4 =	vld [tilespmem:s10+$0x8450]  }
0x235: {  	s7 =	sand.u32 $0x1800, s14;
	s9 =	sshll.u32 s3, $0x1;
	s6 =	sand.u32 $0x2000, s6;
	v5 =	vld [tilespmem:s10+$0x14450]  }
0x236: {  	s6 =	sor.u32 s7, s6;
	s7 =	sand.u32 $0x380, s9;
	[tilespmem:s10+$0x8420] =	vst v1;
	v0 =	vadd.f32 v3, v0;
	v1 =	vld [tilespmem:s10+$0x8460]  }
0x237: {  	s6 =	sor.u32 s7, s6;
	v3 =	vld [tilespmem:s10+$0x14460]  }
0x238: {  	v7 =	vld [tilespmem:s6+$0x8470];
	[tilespmem:s10+$0x8430] =	vst v0;
	v0 =	vadd.f32 v6, v2  }
0x239: {  	v2 =	vld [tilespmem:s6+$0x14470]  }
0x23a: {  	v6 =	vld [tilespmem:s6+$0x8000];
	[tilespmem:s10+$0x8440] =	vst v0;
	v0 =	vadd.f32 v5, v4  }
0x23b: {  	v4 =	vld [tilespmem:s6+$0x14000]  }
0x23c: {  	v5 =	vld [tilespmem:s6+$0x8010];
	[tilespmem:s10+$0x8450] =	vst v0;
	v0 =	vadd.f32 v3, v1  }
0x23d: {  	v1 =	vld [tilespmem:s6+$0x14010]  }
0x23e: {  	v3 =	vld [tilespmem:s6+$0x8020];
	v2 =	vadd.f32 v2, v7;
	[tilespmem:s10+$0x8460] =	vst v0;
	s10 =	smov.u32 s6  }
0x23f: {  	v0 =	vld [tilespmem:s10+$0x14020]  }
0x240: {  	v4 =	vadd.f32 v4, v6;
	v6 =	vld [tilespmem:s10+$0x8030];
	[tilespmem:s10+$0x8470] =	vst v2  }
0x241: {  	v2 =	vld [tilespmem:s10+$0x14030]  }
0x242: {  	[tilespmem:s10+$0x8000] =	vst v4;
	v1 =	vadd.f32 v1, v5;
	v4 =	vld [tilespmem:s10+$0x8040]  }
0x243: {  	v5 =	vld [tilespmem:s10+$0x14040]  }
0x244: {  	[tilespmem:s10+$0x8010] =	vst v1;
	v0 =	vadd.f32 v0, v3;
	v1 =	vld [tilespmem:s10+$0x8050]  }
0x245: {  	v3 =	vld [tilespmem:s10+$0x14050]  }
0x246: {  	[tilespmem:s10+$0x8020] =	vst v0;
	v0 =	vadd.f32 v2, v6;
	v2 =	vld [tilespmem:s10+$0x8060]  }
0x247: {  	v6 =	vld [tilespmem:s10+$0x14060]  }
0x248: {  	[tilespmem:s10+$0x8030] =	vst v0;
	v0 =	vadd.f32 v5, v4;
	v4 =	vld [tilespmem:s10+$0x8070]  }
0x249: {  	v5 =	vld [tilespmem:s10+$0x14070]  }
0x24a: {  	[tilespmem:s10+$0x8040] =	vst v0;
	v0 =	vadd.f32 v3, v1;
	v3 =	vld [tilespmem:s10+$0x8400]  }
0x24b: {  	v7 =	vld [tilespmem:s10+$0x14400]  }
0x24c: {  	[tilespmem:s10+$0x8050] =	vst v0;
	v0 =	vadd.f32 v6, v2;
	v2 =	vld [tilespmem:s10+$0x8410]  }
0x24d: {  	v6 =	vld [tilespmem:s10+$0x14410]  }
.Ltmp6:
0x24e: {  	[tilespmem:s10+$0x8060] =	vst v0;
	v0 =	vadd.f32 v5, v4;
	v1 =	vld [tilespmem:s10+$0x8420];
	(pc) =	sbr.rel @p1 .LBB2_15-.Ltmp6, $4  }
0x24f: {  	v4 =	vld [tilespmem:s10+$0x14420]  }
0x250: {  	[tilespmem:s10+$0x8070] =	vst v0;
	v5 =	vadd.f32 v7, v3;
	v0 =	vld [tilespmem:s10+$0x8430]  }
0x251: {  	v3 =	vld [tilespmem:s10+$0x14430]  }
0x252: {  	[tilespmem:s10+$0x8400] =	vst v5;
	v5 =	vadd.f32 v6, v2;
	v2 =	vld [tilespmem:s10+$0x8440]  }
0x253: {  	v6 =	vld [tilespmem:s10+$0x14440]  }
0x254: {  	v7 =	vld [tilespmem:s10+$0x8450]  }
0x255: {  	v8 =	vld [tilespmem:s10+$0x14450]  }
0x256: {  	v9 =	vld [tilespmem:s10+$0x8460]  }
0x257: {  	v10 =	vld [tilespmem:s10+$0x14460]  }
0x258: {  	v1 =	vadd.f32 v4, v1  }
0x259: {  	[tilespmem:s10+$0x8410] =	vst v5;
	v0 =	vadd.f32 v3, v0  }
0x25a: {  	[tilespmem:s10+$0x8420] =	vst v1;
	v1 =	vadd.f32 v6, v2  }
0x25b: {  	[tilespmem:s10+$0x8430] =	vst v0;
	v0 =	vadd.f32 v8, v7  }
0x25c: {  	[tilespmem:s10+$0x8440] =	vst v1;
	v1 =	vadd.f32 v10, v9  }
0x25d: {  	[tilespmem:s10+$0x8450] =	vst v0  }
0x25e: {  	s3 =	sadd.s32 s4, s11;
	[tilespmem:s10+$0x8460] =	vst v1  }
0x25f: {  	[hbm4b:s3+s5] =	stream.linear.scatter [tilespmem:s19], [sflag:$0x7], $0x4000, $0x38;
	[tilespmem:$0x18000] =	vst v63  }
0x260: {  	_ =	swait.ge [sflag:s25], $0x4000  }
0x261: {  	[sflag:s25] =	ssyncset.done $0x0  }
0x262: {  	[sflag:s25] =	ssyncadd.s32 $0xFFFFC000  }
0x263: {  	s6 =	simm.s32 @!p0 $0x0;
	s7 =	simm.s32 @!p0 $0x4000;
	_ =	swait.ge [sflag:s26], $0x4000  }
0x264: {  	s12 =	simm.s32 $0x0;
	[sflag:s26] =	ssyncset.done $0x0;
	s3 =	rddreg [dreg:$0x6]  }
0x265: {  	s10 =	simm.s32 $0x0;
	[sflag:s26] =	ssyncadd.s32 $0xFFFFC000;
	s3 =	sadd.s32 @!p0 s8, s3  }
0x266: {  	[tilespmem:s7], [sflag:$0x2] =	stream.linear.gather @!p0 [hbm4b:s3+s6], $0x4000, $0x38;
	[tilespmem:$0x18000] =	vst v63  }
0x267: {  	s15 =	simm.s32 $0x0;
	s14 =	sand.u32 $0x1800, s10;
	s3 =	sand.u32 $0x2000, s12  }
0x268: {  	s20 =	sand.u32 $0x380, s15;
	s3 =	sor.u32 s14, s3  }
0x269: {  	s8 =	sor.u32 s20, s3  }
0x26a: {  	v0 =	vld [tilespmem:s8+$0xC470]  }
0x26b: {  	v1 =	vld [tilespmem:s8+$0x14470]  }
0x26c: {  	v2 =	vld [tilespmem:s8+$0xC000]  }
0x26d: {  	v3 =	vld [tilespmem:s8+$0x14000]  }
0x26e: {  	v4 =	vld [tilespmem:s8+$0xC010]  }
0x26f: {  	v5 =	vld [tilespmem:s8+$0x14010]  }
0x270: {  	v6 =	vld [tilespmem:s8+$0xC020]  }
0x271: {  	v7 =	vld [tilespmem:s8+$0x14020]  }
0x272: {  	v60 =	vld [tilespmem:s8+$0xC030]  }
0x273: {  	v61 =	vld [tilespmem:s8+$0x14030]  }
0x274: {  	v62 =	vld [tilespmem:s8+$0xC040]  }
0x275: {  	v11 =	vld [tilespmem:s8+$0x14040]  }
0x276: {  	v12 =	vld [tilespmem:s8+$0xC050]  }
0x277: {  	v13 =	vld [tilespmem:s8+$0x14050]  }
0x278: {  	v14 =	vld [tilespmem:s8+$0xC060]  }
0x279: {  	v0 =	vadd.f32 v1, v0;
	v1 =	vld [tilespmem:s8+$0x14060]  }
0x27a: {  	v2 =	vadd.f32 v3, v2;
	v3 =	vld [tilespmem:s8+$0xC070]  }
0x27b: {  	[tilespmem:s8+$0xC470] =	vst v0;
	v0 =	vadd.f32 v5, v4;
	v4 =	vld [tilespmem:s8+$0x14070]  }
0x27c: {  	[tilespmem:s8+$0xC000] =	vst v2;
	v2 =	vadd.f32 v7, v6;
	v5 =	vld [tilespmem:s8+$0xC400]  }
0x27d: {  	v6 =	vld [tilespmem:s8+$0x14400];
	[tilespmem:s8+$0xC010] =	vst v0;
	v0 =	vadd.f32 v61, v60  }
0x27e: {  	v63 =	vld [tilespmem:s8+$0x14410];
	[tilespmem:s8+$0xC020] =	vst v2;
	v2 =	vadd.f32 v11, v62  }
0x27f: {  	v7 =	vld [tilespmem:s8+$0xC410];
	[tilespmem:s8+$0xC030] =	vst v0;
	v0 =	vadd.f32 v13, v12  }
0x280: {  	[tilespmem:s8+$0xC040] =	vst v2;
	v2 =	vadd.f32 v1, v14;
	v1 =	vld [tilespmem:s8+$0xC420]  }
0x281: {  	v3 =	vadd.f32 v4, v3;
	v4 =	vld [tilespmem:s8+$0x14420];
	[tilespmem:s8+$0xC050] =	vst v0  }
0x282: {  	[tilespmem:s8+$0xC060] =	vst v2;
	v2 =	vadd.f32 v6, v5;
	v0 =	vld [tilespmem:s8+$0xC430]  }
0x283: {  	[tilespmem:s8+$0xC070] =	vst v3;
	v3 =	vld [tilespmem:s8+$0x14430]  }
0x284: {  	s3 =	simm.s32 $0x0;
	v5 =	vadd.f32 v63, v7;
	[tilespmem:s8+$0xC400] =	vst v2;
	v2 =	vld [tilespmem:s8+$0xC440]  }
.LBB2_17:
0x285: {  	s3 =	sadd.s32 $0x10, s3;
	v6 =	vld [tilespmem:s8+$0x14440]  }
0x286: {  	s10 =	sadd.s32 $0x800, s10;
	s6 =	sshll.u32 s3, $0x4;
	p0 =	slt.u32 s3, $0x3F0;
	[tilespmem:s8+$0xC410] =	vst v5;
	v1 =	vadd.f32 v4, v1;
	v4 =	vld [tilespmem:s8+$0xC450]  }
0x287: {  	s7 =	sand.u32 $0x1800, s10;
	s9 =	sshll.u32 s3, $0x1;
	s6 =	sand.u32 $0x2000, s6;
	v5 =	vld [tilespmem:s8+$0x14450]  }
0x288: {  	s6 =	sor.u32 s7, s6;
	s7 =	sand.u32 $0x380, s9;
	[tilespmem:s8+$0xC420] =	vst v1;
	v0 =	vadd.f32 v3, v0;
	v1 =	vld [tilespmem:s8+$0xC460]  }
0x289: {  	s6 =	sor.u32 s7, s6;
	v3 =	vld [tilespmem:s8+$0x14460]  }
0x28a: {  	v7 =	vld [tilespmem:s6+$0xC470];
	[tilespmem:s8+$0xC430] =	vst v0;
	v0 =	vadd.f32 v6, v2  }
0x28b: {  	v2 =	vld [tilespmem:s6+$0x14470]  }
0x28c: {  	v6 =	vld [tilespmem:s6+$0xC000];
	[tilespmem:s8+$0xC440] =	vst v0;
	v0 =	vadd.f32 v5, v4  }
0x28d: {  	v4 =	vld [tilespmem:s6+$0x14000]  }
0x28e: {  	v5 =	vld [tilespmem:s6+$0xC010];
	[tilespmem:s8+$0xC450] =	vst v0;
	v0 =	vadd.f32 v3, v1  }
0x28f: {  	v1 =	vld [tilespmem:s6+$0x14010]  }
0x290: {  	v3 =	vld [tilespmem:s6+$0xC020];
	v2 =	vadd.f32 v2, v7;
	[tilespmem:s8+$0xC460] =	vst v0;
	s8 =	smov.u32 s6  }
0x291: {  	v0 =	vld [tilespmem:s8+$0x14020]  }
0x292: {  	v4 =	vadd.f32 v4, v6;
	v6 =	vld [tilespmem:s8+$0xC030];
	[tilespmem:s8+$0xC470] =	vst v2  }
0x293: {  	v2 =	vld [tilespmem:s8+$0x14030]  }
0x294: {  	[tilespmem:s8+$0xC000] =	vst v4;
	v1 =	vadd.f32 v1, v5;
	v4 =	vld [tilespmem:s8+$0xC040]  }
0x295: {  	v5 =	vld [tilespmem:s8+$0x14040]  }
0x296: {  	[tilespmem:s8+$0xC010] =	vst v1;
	v0 =	vadd.f32 v0, v3;
	v1 =	vld [tilespmem:s8+$0xC050]  }
0x297: {  	v3 =	vld [tilespmem:s8+$0x14050]  }
0x298: {  	[tilespmem:s8+$0xC020] =	vst v0;
	v0 =	vadd.f32 v2, v6;
	v2 =	vld [tilespmem:s8+$0xC060]  }
0x299: {  	v6 =	vld [tilespmem:s8+$0x14060]  }
0x29a: {  	[tilespmem:s8+$0xC030] =	vst v0;
	v0 =	vadd.f32 v5, v4;
	v4 =	vld [tilespmem:s8+$0xC070]  }
0x29b: {  	v5 =	vld [tilespmem:s8+$0x14070]  }
0x29c: {  	[tilespmem:s8+$0xC040] =	vst v0;
	v0 =	vadd.f32 v3, v1;
	v3 =	vld [tilespmem:s8+$0xC400]  }
0x29d: {  	v7 =	vld [tilespmem:s8+$0x14400]  }
0x29e: {  	[tilespmem:s8+$0xC050] =	vst v0;
	v0 =	vadd.f32 v6, v2;
	v2 =	vld [tilespmem:s8+$0xC410]  }
0x29f: {  	v6 =	vld [tilespmem:s8+$0x14410]  }
.Ltmp7:
0x2a0: {  	[tilespmem:s8+$0xC060] =	vst v0;
	v0 =	vadd.f32 v5, v4;
	v1 =	vld [tilespmem:s8+$0xC420];
	(pc) =	sbr.rel @p0 .LBB2_17-.Ltmp7, $4  }
0x2a1: {  	v4 =	vld [tilespmem:s8+$0x14420]  }
0x2a2: {  	[tilespmem:s8+$0xC070] =	vst v0;
	v5 =	vadd.f32 v7, v3;
	v0 =	vld [tilespmem:s8+$0xC430]  }
0x2a3: {  	v3 =	vld [tilespmem:s8+$0x14430]  }
0x2a4: {  	[tilespmem:s8+$0xC400] =	vst v5;
	v5 =	vadd.f32 v6, v2;
	v2 =	vld [tilespmem:s8+$0xC440]  }
0x2a5: {  	v6 =	vld [tilespmem:s8+$0x14440]  }
0x2a6: {  	v7 =	vld [tilespmem:s8+$0xC450]  }
0x2a7: {  	v8 =	vld [tilespmem:s8+$0x14450]  }
0x2a8: {  	v9 =	vld [tilespmem:s8+$0xC460]  }
0x2a9: {  	v10 =	vld [tilespmem:s8+$0x14460]  }
0x2aa: {  	v1 =	vadd.f32 v4, v1  }
0x2ab: {  	s0 =	sadd.s32 $0x1, s0;
	[tilespmem:s8+$0xC410] =	vst v5;
	v0 =	vadd.f32 v3, v0  }
0x2ac: {  	p0 =	sne.s32 s0, $0x4;
	[tilespmem:s8+$0xC420] =	vst v1;
	v61 =	vadd.f32 v6, v2  }
.Ltmp8:
0x2ad: {  	[tilespmem:s8+$0xC430] =	vst v0;
	v62 =	vadd.f32 v8, v7;
	(pc) =	sbr.rel @p0 .LBB2_2-.Ltmp8, $4  }
0x2ae: {  	v63 =	vadd.f32 v10, v9;
	[tilespmem:s8+$0xC440] =	vst v61  }
0x2af: {  	[tilespmem:s8+$0xC450] =	vst v62  }
0x2b0: {  	s2 =	sadd.s32 s4, s2;
	[tilespmem:s8+$0xC460] =	vst v63  }
0x2b1: {  	[hbm4b:s2+s5] =	stream.linear.scatter [tilespmem:s22], [sflag:$0x8], $0x4000, $0x38;
	[tilespmem:$0x18000] =	vst v63  }
0x2b2: {  	_ =	swait.ge [sflag:s29], $0x4000  }
0x2b3: {  	[sflag:s29] =	ssyncset.done $0x0  }
0x2b4: {  	[sflag:s29] =	ssyncadd.s32 $0xFFFFC000  }
0x2b5: {  	_ =	swait.ge [sflag:s30], $0x4000  }
0x2b6: {  	s2 =	rddreg [dreg:$0xc]  }
0x2b7: {  	s0 =	rddreg [dreg:$0xb];
	s2 =	sadd.s32 $0x1, s2  }
0x2b8: {  	p0 =	sne.s32 s2, s0  }
.Ltmp9:
0x2b9: {  	_ = 	snop;
	(pc) =	sbr.rel @p0 .LBB2_1-.Ltmp9, $3  }
0x2ba: {  	_ =	sdelay $0x1  }
0x2bb: {  	[sflag:s30] =	ssyncset.done $0x0  }
0x2bc: {  	[sflag:s30] =	ssyncadd.s32 $0xFFFFC000  }
0x2bd: {  	_ =	sfence.sel $0x180000  }
0x2be: {  	[bflag:$0x0] =	sbarrier.arrive $0xFFFF  }
0x2bf: {  	_ =	strace $0x90000047  }
0x2c0: {  	s0 =	stileid.u32;
	[bflag:$0x2] =	sbarrier.arrive $0xFFFF  }
0x2c1: {  	p0 =	sne.s32 s0, $0x0;
	s0 =	rddreg [dreg:$0x3]  }
0x2c2: {  	s0 =	sadd.s32 @!p0 $0x100000, s0  }
0x2c3: {  	[sflag:s0] =	ssyncadd.tile.s32 @!p0 $0x1;
	_ =	shalt  }
.Lfunc_end2:
_tile_overlayer_lowered:
.L_overlay_start_2:
0x2c4: {  	(tag) =	ssettag $0x2  }
0x2c5: {  	s0 =	rddreg [dreg:$0x0];
	s2 =	stileid.u32  }
0x2c6: {  	s1 =	rddreg [dreg:$0x1];
	p0 =	sne.s32 s2, $0x0  }
0x2c7: {  	s3 =	rddreg [dreg:$0x2];
	[bflag:$0x3] =	sbarrier.arrive $0xFFFF;
	s2 =	simm.s32 @!p0 $0x1C0B  }
0x2c8: {  	[timem:s3], [sflag:s2] =	dma.local @!p0 [hbm:s0], s1  }
0x2c9: {  	s0 =	simm.s32 @!p0 $0xB  }
0x2ca: {  	_ =	swait.ge @!p0 [sflag:s0], s1  }
0x2cb: {  	s1 =	ssub.s32 @!p0 $0x0, s1;
	[sflag:s0] =	ssyncset.done @!p0 $0x0  }
0x2cc: {  	[sflag:s0] =	ssyncadd.s32 @!p0 s1  }
0x2cd: {  	[bflag:$0x3] =	sbarrier.arrive $0xFFFF  }
0x2ce: {  	_ =	shalt  }

</sc_bundles>
